<compile_context>
chip_gen: v7x
topology: tpu7x:2x2x1
jax: 0.10.2.dev20260603
libtpu: 0.0.44.dev20260713+nightly
codegen_flags: <defaults>
</compile_context>

<pallas_src>
import functools

import jax
import jax.numpy as jnp
import numpy as np
from jax import lax
from jax.experimental import pallas as pl
from jax.experimental.pallas import tpu as pltpu
from jax.experimental.pallas import tpu_sc as plsc

_NUM_NODES = 163842
_N_IN = 40962
_FEAT = 128
_HALF = 64
_HR_IN = 2 * _N_IN
_HR_OUT = 2 * _NUM_NODES
_G_TOTAL = _HR_OUT - _HR_IN

_NC, _NS = 2, 16
_NW = _NC * _NS
_GPW = _G_TOTAL // _NW
_CHUNKI = 256
_NCH = _GPW // _CHUNKI
_NBUF = 2

_CP_CHUNK = 256
_CP_PER_W = (_HR_IN // _NW) // _CP_CHUNK
_CP_REM = _HR_IN - _NW * _CP_PER_W * _CP_CHUNK

_AVG = np.zeros((_FEAT, _HALF), np.float32)
_AVG[2 * np.arange(_HALF), np.arange(_HALF)] = 0.5
_AVG[2 * np.arange(_HALF) + 1, np.arange(_HALF)] = 0.5

_ROWS_BLK = 8192


def _pair_avg_body(x_ref, m_ref, o_ref):
    o_ref[...] = jnp.dot(x_ref[...], m_ref[...],
                         preferred_element_type=jnp.float32)


def _pair_avg(x):
    grid = pl.cdiv(_N_IN, _ROWS_BLK)
    return pl.pallas_call(
        _pair_avg_body,
        grid=(grid,),
        in_specs=[
            pl.BlockSpec((_ROWS_BLK, _FEAT), lambda i: (i, 0)),
            pl.BlockSpec((_FEAT, _HALF), lambda i: (0, 0)),
        ],
        out_specs=pl.BlockSpec((_ROWS_BLK, _HALF), lambda i: (i, 0)),
        out_shape=jax.ShapeDtypeStruct((_N_IN, _HALF), jnp.float32),
    )(x, jnp.asarray(_AVG))


def _sc_body(xh_hbm, xp_hbm, idx_hbm, out_hbm,
             idx_v, gbuf, cbuf, grsem, gwsem, crsem, cwsem):
    cid = lax.axis_index("c")
    sid = lax.axis_index("s")
    wid = sid * _NC + cid

    def cp_read(k, b):
        off = base_cp + k * _CP_CHUNK
        return pltpu.make_async_copy(
            xh_hbm.at[pl.ds(off, _CP_CHUNK)], cbuf.at[b], crsem.at[b])

    def cp_write(k, b):
        off = base_cp + k * _CP_CHUNK
        return pltpu.make_async_copy(
            cbuf.at[b], out_hbm.at[pl.ds(off, _CP_CHUNK)], cwsem.at[b])

    base_cp = wid * _CP_PER_W * _CP_CHUNK
    cp_read(0, 0).start()
    cp_read(1, 1).start()
    for k in range(_CP_PER_W):
        b = k & 1
        cp_read(k, b).wait()
        cp_write(k, b).start()
        if k + 2 < _CP_PER_W:
            cp_write(k, b).wait()
            cp_read(k + 2, b).start()
    cp_write(_CP_PER_W - 2, _CP_PER_W & 1).wait()
    cp_write(_CP_PER_W - 1, (_CP_PER_W - 1) & 1).wait()

    @pl.when(wid == 0)
    def _():
        tail = _HR_IN - _CP_REM
        pltpu.sync_copy(xh_hbm.at[pl.ds(tail, _CP_REM)],
                        cbuf.at[0].at[pl.ds(0, _CP_REM)])
        pltpu.sync_copy(cbuf.at[0].at[pl.ds(0, _CP_REM)],
                        out_hbm.at[pl.ds(tail, _CP_REM)])

    pltpu.sync_copy(idx_hbm.at[wid], idx_v)
    out_base = _HR_IN + wid * _GPW

    def g_read(c, b):
        return pltpu.make_async_copy(
            xp_hbm.at[idx_v.at[c]], gbuf.at[b], grsem.at[b])

    def g_write(c, b):
        return pltpu.make_async_copy(
            gbuf.at[b],
            out_hbm.at[pl.ds(out_base + c * _CHUNKI, _CHUNKI)],
            gwsem.at[b])

    for b in range(_NBUF):
        g_read(b, b).start()

    def outer(g, carry):
        for b in range(_NBUF):
            c = g * _NBUF + b
            g_read(c, b).wait()
            g_write(c, b).start()
            nxt = c + _NBUF

            @pl.when(nxt < _NCH)
            def _():
                g_write(c, b).wait()
                g_read(nxt, b).start()
        return carry

    lax.fori_loop(0, _NCH // _NBUF, outer, 0)

    for b in range(_NBUF):
        g_write(_NCH - _NBUF + b, b).wait()


_sc_call = functools.partial(
    pl.kernel,
    out_type=jax.ShapeDtypeStruct((_HR_OUT, _HALF), jnp.float32),
    mesh=plsc.VectorSubcoreMesh(
        core_axis_name="c", subcore_axis_name="s",
        num_cores=_NC, num_subcores=_NS),
    scratch_types=[
        pltpu.VMEM((_NCH, _CHUNKI), jnp.int32),
        pltpu.VMEM((_NBUF, _CHUNKI, _HALF), jnp.float32),
        pltpu.VMEM((2, _CP_CHUNK, _HALF), jnp.float32),
        pltpu.SemaphoreType.DMA((_NBUF,)),
        pltpu.SemaphoreType.DMA((_NBUF,)),
        pltpu.SemaphoreType.DMA((2,)),
        pltpu.SemaphoreType.DMA((2,)),
    ],
    compiler_params=pltpu.CompilerParams(use_tc_tiling_on_sc=False),
)(_sc_body)


@jax.jit
def kernel(x, upsample_neighs_order):
    order = upsample_neighs_order.astype(jnp.int32)
    xp = _pair_avg(x)
    xh = x.reshape(_HR_IN, _HALF)
    idx3 = order.reshape(_NW, _NCH, _CHUNKI)
    out = _sc_call(xh, xp, idx3)
    return out.reshape(_NUM_NODES, _FEAT)

# --- scband reference (transcript-rebuilt; emitter-appended) ---
"""Pipeline reference for scband-upsample-layer-13726715478123 (READ-ONLY COPY).

The authoritative reference and input builder live on the scoring server;
editing this copy changes nothing except your own understanding.
"""

import jax, jax.numpy as jnp
import numpy as np

NUM_NODES = 163842
N_IN = 40962
FEAT = 128

def setup_inputs(seed: int = 0) -> dict:
    key = jax.random.key(seed)
    k1, k2 = jax.random.split(key)
    x = jax.random.normal(k1, (N_IN, FEAT), dtype=jnp.float32)
    order = jax.random.randint(k2, (2 * (NUM_NODES - N_IN),), 0, N_IN, dtype=jnp.int64)
    return {"x": x, "upsample_neighs_order": order}

def reference(x, upsample_neighs_order):
    # upsample_layer.forward with upsampling_type='interpolation'
    feat_num = x.shape[1]
    n_new = NUM_NODES - x.shape[0]
    # gather coarse features for each new vertex's 2 neighbors
    x1 = jnp.take(x, upsample_neighs_order, axis=0)          # [2*n_new, feat]
    x1 = x1.reshape(n_new, feat_num, 2)                       # matches torch .view semantics (row-major)
    x1 = jnp.mean(x1, axis=2)                                 # [n_new, feat]
    out = jnp.concatenate([x, x1], axis=0)                    # [num_nodes, feat]
    return out

if __name__ == "__main__":
    import jax
    _d = setup_inputs()
    print(jax.jit(kernel)(*tuple(_d.values())))

</pallas_src>

<mosaic_0001>
#map = affine_map<(d0, d1) -> (0, 0)>
#map1 = affine_map<(d0, d1) -> (0, 0, 0)>
module attributes {stable_mosaic.version = 14 : i64} {
  func.func @_sc_body(%arg0: i32, %arg1: i32, %arg2: memref<81924x64xf32, #tpu.memory_space<hbm>>, %arg3: memref<40962x64xf32, #tpu.memory_space<hbm>>, %arg4: memref<32x30x256xi32, #tpu.memory_space<hbm>>, %arg5: memref<327684x64xf32, #tpu.memory_space<hbm>>, %arg6: memref<30x256xi32, #tpu.memory_space<vmem>>, %arg7: memref<2x256x64xf32, #tpu.memory_space<vmem>>, %arg8: memref<2x256x64xf32, #tpu.memory_space<vmem>>, %arg9: memref<2x!tpu.dma_semaphore, #tpu.memory_space<semaphore_mem>>, %arg10: memref<2x!tpu.dma_semaphore, #tpu.memory_space<semaphore_mem>>, %arg11: memref<2x!tpu.dma_semaphore, #tpu.memory_space<semaphore_mem>>, %arg12: memref<2x!tpu.dma_semaphore, #tpu.memory_space<semaphore_mem>>) attributes {dimension_semantics = [#tpu.dimension_semantics<core_parallel>, #tpu.dimension_semantics<subcore_parallel>], iteration_bounds = array<i64: 2, 16>, scalar_prefetch = 0 : i64, scratch_operands = 7 : i64, tpu.core_type = #tpu.core_type<sc_vector_subcore>, window_params = [{transform_indices = #map}, {transform_indices = #map}, {transform_indices = #map1}, {transform_indices = #map}]} {
    %mul3A = arith.constant 2 : i32
    %mul3A_0 = arith.muli %arg1, %mul3A : i32
    %add3A = arith.addi %mul3A_0, %arg0 : i32
    %mul3A_1 = arith.constant 10 : i32
    %mul3A_2 = arith.muli %add3A, %mul3A_1 : i32
    %mul3A_3 = arith.constant 256 : i32
    %mul3A_4 = arith.muli %mul3A_2, %mul3A_3 : i32
    %add3A_5 = arith.constant 0 : i32
    %add3A_6 = arith.addi %mul3A_4, %add3A_5 : i32
    %dma_start3A = arith.constant 0 : i32
    %dma_start3A_7 = arith.constant 0 : i32
    %dma_start3A_8 = arith.constant 0 : i32
    %dma_start3A_9 = arith.constant 0 : i32
    %dma_start3A_10 = tpu.memref_slice %arg8[%dma_start3A, %dma_start3A_8, %dma_start3A_9] : memref<2x256x64xf32, #tpu.memory_space<vmem>> -> memref<1x256x64xf32, #tpu.memory_space<vmem>>
    %dma_start3A_11 = tpu.memref_squeeze %dma_start3A_10 : memref<1x256x64xf32, #tpu.memory_space<vmem>> -> memref<256x64xf32, #tpu.memory_space<vmem>>
    %dma_start3A_12 = arith.constant 0 : i32
    %dma_start3A_13 = tpu.memref_slice %arg2[%add3A_6, %dma_start3A_12] : memref<81924x64xf32, #tpu.memory_space<hbm>> -> memref<256x64xf32, #tpu.memory_space<hbm>>
    %dma_start3A_14 = tpu.memref_slice %arg11[%dma_start3A_7] : memref<2x!tpu.dma_semaphore, #tpu.memory_space<semaphore_mem>> -> memref<1x!tpu.dma_semaphore, #tpu.memory_space<semaphore_mem>>
    %dma_start3A_15 = tpu.memref_squeeze %dma_start3A_14 : memref<1x!tpu.dma_semaphore, #tpu.memory_space<semaphore_mem>> -> memref<!tpu.dma_semaphore, #tpu.memory_space<semaphore_mem>>
    %dma_start3A_16 = arith.constant 0 : i32
    %dma_start3A_17 = arith.constant 0 : i32
    %dma_start3A_18 = tpu.memref_slice %arg8[%dma_start3A, %dma_start3A_16, %dma_start3A_17] : memref<2x256x64xf32, #tpu.memory_space<vmem>> -> memref<1x256x64xf32, #tpu.memory_space<vmem>>
    %dma_start3A_19 = tpu.memref_squeeze %dma_start3A_18 : memref<1x256x64xf32, #tpu.memory_space<vmem>> -> memref<256x64xf32, #tpu.memory_space<vmem>>
    %dma_start3A_20 = arith.constant 0 : i32
    %dma_start3A_21 = tpu.memref_slice %arg2[%add3A_6, %dma_start3A_20] : memref<81924x64xf32, #tpu.memory_space<hbm>> -> memref<256x64xf32, #tpu.memory_space<hbm>>
    tpu.enqueue_dma source(%dma_start3A_21 : memref<256x64xf32, #tpu.memory_space<hbm>>) target(%dma_start3A_19 : memref<256x64xf32, #tpu.memory_space<vmem>>) target_semaphore(%dma_start3A_15 : memref<!tpu.dma_semaphore, #tpu.memory_space<semaphore_mem>>)
    %add3A_22 = arith.constant 256 : i32
    %add3A_23 = arith.addi %mul3A_4, %add3A_22 : i32
    %dma_start3A_24 = arith.constant 1 : i32
    %dma_start3A_25 = arith.constant 1 : i32
    %dma_start3A_26 = arith.constant 0 : i32
    %dma_start3A_27 = arith.constant 0 : i32
    %dma_start3A_28 = tpu.memref_slice %arg8[%dma_start3A_24, %dma_start3A_26, %dma_start3A_27] : memref<2x256x64xf32, #tpu.memory_space<vmem>> -> memref<1x256x64xf32, #tpu.memory_space<vmem>>
    %dma_start3A_29 = tpu.memref_squeeze %dma_start3A_28 : memref<1x256x64xf32, #tpu.memory_space<vmem>> -> memref<256x64xf32, #tpu.memory_space<vmem>>
    %dma_start3A_30 = arith.constant 0 : i32
    %dma_start3A_31 = tpu.memref_slice %arg2[%add3A_23, %dma_start3A_30] : memref<81924x64xf32, #tpu.memory_space<hbm>> -> memref<256x64xf32, #tpu.memory_space<hbm>>
    %dma_start3A_32 = tpu.memref_slice %arg11[%dma_start3A_25] : memref<2x!tpu.dma_semaphore, #tpu.memory_space<semaphore_mem>> -> memref<1x!tpu.dma_semaphore, #tpu.memory_space<semaphore_mem>>
    %dma_start3A_33 = tpu.memref_squeeze %dma_start3A_32 : memref<1x!tpu.dma_semaphore, #tpu.memory_space<semaphore_mem>> -> memref<!tpu.dma_semaphore, #tpu.memory_space<semaphore_mem>>
    %dma_start3A_34 = arith.constant 0 : i32
    %dma_start3A_35 = arith.constant 0 : i32
    %dma_start3A_36 = tpu.memref_slice %arg8[%dma_start3A_24, %dma_start3A_34, %dma_start3A_35] : memref<2x256x64xf32, #tpu.memory_space<vmem>> -> memref<1x256x64xf32, #tpu.memory_space<vmem>>
    %dma_start3A_37 = tpu.memref_squeeze %dma_start3A_36 : memref<1x256x64xf32, #tpu.memory_space<vmem>> -> memref<256x64xf32, #tpu.memory_space<vmem>>
    %dma_start3A_38 = arith.constant 0 : i32
    %dma_start3A_39 = tpu.memref_slice %arg2[%add3A_23, %dma_start3A_38] : memref<81924x64xf32, #tpu.memory_space<hbm>> -> memref<256x64xf32, #tpu.memory_space<hbm>>
    tpu.enqueue_dma source(%dma_start3A_39 : memref<256x64xf32, #tpu.memory_space<hbm>>) target(%dma_start3A_37 : memref<256x64xf32, #tpu.memory_space<vmem>>) target_semaphore(%dma_start3A_33 : memref<!tpu.dma_semaphore, #tpu.memory_space<semaphore_mem>>)
    %add3A_40 = arith.constant 0 : i32
    %add3A_41 = arith.addi %mul3A_4, %add3A_40 : i32
    %dma_wait3A = arith.constant 0 : i32
    %dma_wait3A_42 = arith.constant 0 : i32
    %dma_wait3A_43 = arith.constant 0 : i32
    %dma_wait3A_44 = arith.constant 0 : i32
    %dma_wait3A_45 = tpu.memref_slice %arg8[%dma_wait3A, %dma_wait3A_43, %dma_wait3A_44] : memref<2x256x64xf32, #tpu.memory_space<vmem>> -> memref<1x256x64xf32, #tpu.memory_space<vmem>>
    %dma_wait3A_46 = tpu.memref_squeeze %dma_wait3A_45 : memref<1x256x64xf32, #tpu.memory_space<vmem>> -> memref<256x64xf32, #tpu.memory_space<vmem>>
    %dma_wait3A_47 = arith.constant 0 : i32
    %dma_wait3A_48 = tpu.memref_slice %arg2[%add3A_41, %dma_wait3A_47] : memref<81924x64xf32, #tpu.memory_space<hbm>> -> memref<256x64xf32, #tpu.memory_space<hbm>>
    %dma_wait3A_49 = tpu.memref_slice %arg11[%dma_wait3A_42] : memref<2x!tpu.dma_semaphore, #tpu.memory_space<semaphore_mem>> -> memref<1x!tpu.dma_semaphore, #tpu.memory_space<semaphore_mem>>
    %dma_wait3A_50 = tpu.memref_squeeze %dma_wait3A_49 : memref<1x!tpu.dma_semaphore, #tpu.memory_space<semaphore_mem>> -> memref<!tpu.dma_semaphore, #tpu.memory_space<semaphore_mem>>
    %dma_wait3A_51 = arith.constant 0 : i32
    %dma_wait3A_52 = arith.constant 0 : i32
    %dma_wait3A_53 = tpu.memref_slice %arg8[%dma_wait3A, %dma_wait3A_51, %dma_wait3A_52] : memref<2x256x64xf32, #tpu.memory_space<vmem>> -> memref<1x256x64xf32, #tpu.memory_space<vmem>>
    %dma_wait3A_54 = tpu.memref_squeeze %dma_wait3A_53 : memref<1x256x64xf32, #tpu.memory_space<vmem>> -> memref<256x64xf32, #tpu.memory_space<vmem>>
    %dma_wait3A_55 = arith.constant 0 : i32
    %dma_wait3A_56 = tpu.memref_slice %arg2[%add3A_41, %dma_wait3A_55] : memref<81924x64xf32, #tpu.memory_space<hbm>> -> memref<256x64xf32, #tpu.memory_space<hbm>>
    tpu.wait_dma2 semaphore(%dma_wait3A_50 : memref<!tpu.dma_semaphore, #tpu.memory_space<semaphore_mem>>) src(%dma_wait3A_56 : memref<256x64xf32, #tpu.memory_space<hbm>>) dst(%dma_wait3A_54 : memref<256x64xf32, #tpu.memory_space<vmem>>)
    %add3A_57 = arith.constant 0 : i32
    %add3A_58 = arith.addi %mul3A_4, %add3A_57 : i32
    %dma_start3A_59 = arith.constant 0 : i32
    %dma_start3A_60 = arith.constant 0 : i32
    %dma_start3A_61 = arith.constant 0 : i32
    %dma_start3A_62 = arith.constant 0 : i32
    %dma_start3A_63 = tpu.memref_slice %arg8[%dma_start3A_59, %dma_start3A_61, %dma_start3A_62] : memref<2x256x64xf32, #tpu.memory_space<vmem>> -> memref<1x256x64xf32, #tpu.memory_space<vmem>>
    %dma_start3A_64 = tpu.memref_squeeze %dma_start3A_63 : memref<1x256x64xf32, #tpu.memory_space<vmem>> -> memref<256x64xf32, #tpu.memory_space<vmem>>
    %dma_start3A_65 = arith.constant 0 : i32
    %dma_start3A_66 = tpu.memref_slice %arg5[%add3A_58, %dma_start3A_65] : memref<327684x64xf32, #tpu.memory_space<hbm>> -> memref<256x64xf32, #tpu.memory_space<hbm>>
    %dma_start3A_67 = tpu.memref_slice %arg12[%dma_start3A_60] : memref<2x!tpu.dma_semaphore, #tpu.memory_space<semaphore_mem>> -> memref<1x!tpu.dma_semaphore, #tpu.memory_space<semaphore_mem>>
    %dma_start3A_68 = tpu.memref_squeeze %dma_start3A_67 : memref<1x!tpu.dma_semaphore, #tpu.memory_space<semaphore_mem>> -> memref<!tpu.dma_semaphore, #tpu.memory_space<semaphore_mem>>
    %dma_start3A_69 = arith.constant 0 : i32
    %dma_start3A_70 = tpu.memref_slice %arg5[%add3A_58, %dma_start3A_69] : memref<327684x64xf32, #tpu.memory_space<hbm>> -> memref<256x64xf32, #tpu.memory_space<hbm>>
    %dma_start3A_71 = arith.constant 0 : i32
    %dma_start3A_72 = arith.constant 0 : i32
    %dma_start3A_73 = tpu.memref_slice %arg8[%dma_start3A_59, %dma_start3A_71, %dma_start3A_72] : memref<2x256x64xf32, #tpu.memory_space<vmem>> -> memref<1x256x64xf32, #tpu.memory_space<vmem>>
    %dma_start3A_74 = tpu.memref_squeeze %dma_start3A_73 : memref<1x256x64xf32, #tpu.memory_space<vmem>> -> memref<256x64xf32, #tpu.memory_space<vmem>>
    tpu.enqueue_dma source(%dma_start3A_74 : memref<256x64xf32, #tpu.memory_space<vmem>>) target(%dma_start3A_70 : memref<256x64xf32, #tpu.memory_space<hbm>>) target_semaphore(%dma_start3A_68 : memref<!tpu.dma_semaphore, #tpu.memory_space<semaphore_mem>>)
    %add3A_75 = arith.constant 0 : i32
    %add3A_76 = arith.addi %mul3A_4, %add3A_75 : i32
    %dma_wait3A_77 = arith.constant 0 : i32
    %dma_wait3A_78 = arith.constant 0 : i32
    %dma_wait3A_79 = arith.constant 0 : i32
    %dma_wait3A_80 = arith.constant 0 : i32
    %dma_wait3A_81 = tpu.memref_slice %arg8[%dma_wait3A_77, %dma_wait3A_79, %dma_wait3A_80] : memref<2x256x64xf32, #tpu.memory_space<vmem>> -> memref<1x256x64xf32, #tpu.memory_space<vmem>>
    %dma_wait3A_82 = tpu.memref_squeeze %dma_wait3A_81 : memref<1x256x64xf32, #tpu.memory_space<vmem>> -> memref<256x64xf32, #tpu.memory_space<vmem>>
    %dma_wait3A_83 = arith.constant 0 : i32
    %dma_wait3A_84 = tpu.memref_slice %arg5[%add3A_76, %dma_wait3A_83] : memref<327684x64xf32, #tpu.memory_space<hbm>> -> memref<256x64xf32, #tpu.memory_space<hbm>>
    %dma_wait3A_85 = tpu.memref_slice %arg12[%dma_wait3A_78] : memref<2x!tpu.dma_semaphore, #tpu.memory_space<semaphore_mem>> -> memref<1x!tpu.dma_semaphore, #tpu.memory_space<semaphore_mem>>
    %dma_wait3A_86 = tpu.memref_squeeze %dma_wait3A_85 : memref<1x!tpu.dma_semaphore, #tpu.memory_space<semaphore_mem>> -> memref<!tpu.dma_semaphore, #tpu.memory_space<semaphore_mem>>
    %dma_wait3A_87 = arith.constant 0 : i32
    %dma_wait3A_88 = tpu.memref_slice %arg5[%add3A_76, %dma_wait3A_87] : memref<327684x64xf32, #tpu.memory_space<hbm>> -> memref<256x64xf32, #tpu.memory_space<hbm>>
    %dma_wait3A_89 = arith.constant 0 : i32
    %dma_wait3A_90 = arith.constant 0 : i32
    %dma_wait3A_91 = tpu.memref_slice %arg8[%dma_wait3A_77, %dma_wait3A_89, %dma_wait3A_90] : memref<2x256x64xf32, #tpu.memory_space<vmem>> -> memref<1x256x64xf32, #tpu.memory_space<vmem>>
    %dma_wait3A_92 = tpu.memref_squeeze %dma_wait3A_91 : memref<1x256x64xf32, #tpu.memory_space<vmem>> -> memref<256x64xf32, #tpu.memory_space<vmem>>
    tpu.wait_dma2 semaphore(%dma_wait3A_86 : memref<!tpu.dma_semaphore, #tpu.memory_space<semaphore_mem>>) src(%dma_wait3A_92 : memref<256x64xf32, #tpu.memory_space<vmem>>) dst(%dma_wait3A_88 : memref<256x64xf32, #tpu.memory_space<hbm>>)
    %add3A_93 = arith.constant 512 : i32
    %add3A_94 = arith.addi %mul3A_4, %add3A_93 : i32
    %dma_start3A_95 = arith.constant 0 : i32
    %dma_start3A_96 = arith.constant 0 : i32
    %dma_start3A_97 = arith.constant 0 : i32
    %dma_start3A_98 = arith.constant 0 : i32
    %dma_start3A_99 = tpu.memref_slice %arg8[%dma_start3A_95, %dma_start3A_97, %dma_start3A_98] : memref<2x256x64xf32, #tpu.memory_space<vmem>> -> memref<1x256x64xf32, #tpu.memory_space<vmem>>
    %dma_start3A_100 = tpu.memref_squeeze %dma_start3A_99 : memref<1x256x64xf32, #tpu.memory_space<vmem>> -> memref<256x64xf32, #tpu.memory_space<vmem>>
    %dma_start3A_101 = arith.constant 0 : i32
    %dma_start3A_102 = tpu.memref_slice %arg2[%add3A_94, %dma_start3A_101] : memref<81924x64xf32, #tpu.memory_space<hbm>> -> memref<256x64xf32, #tpu.memory_space<hbm>>
    %dma_start3A_103 = tpu.memref_slice %arg11[%dma_start3A_96] : memref<2x!tpu.dma_semaphore, #tpu.memory_space<semaphore_mem>> -> memref<1x!tpu.dma_semaphore, #tpu.memory_space<semaphore_mem>>
    %dma_start3A_104 = tpu.memref_squeeze %dma_start3A_103 : memref<1x!tpu.dma_semaphore, #tpu.memory_space<semaphore_mem>> -> memref<!tpu.dma_semaphore, #tpu.memory_space<semaphore_mem>>
    %dma_start3A_105 = arith.constant 0 : i32
    %dma_start3A_106 = arith.constant 0 : i32
    %dma_start3A_107 = tpu.memref_slice %arg8[%dma_start3A_95, %dma_start3A_105, %dma_start3A_106] : memref<2x256x64xf32, #tpu.memory_space<vmem>> -> memref<1x256x64xf32, #tpu.memory_space<vmem>>
    %dma_start3A_108 = tpu.memref_squeeze %dma_start3A_107 : memref<1x256x64xf32, #tpu.memory_space<vmem>> -> memref<256x64xf32, #tpu.memory_space<vmem>>
    %dma_start3A_109 = arith.constant 0 : i32
    %dma_start3A_110 = tpu.memref_slice %arg2[%add3A_94, %dma_start3A_109] : memref<81924x64xf32, #tpu.memory_space<hbm>> -> memref<256x64xf32, #tpu.memory_space<hbm>>
    tpu.enqueue_dma source(%dma_start3A_110 : memref<256x64xf32, #tpu.memory_space<hbm>>) target(%dma_start3A_108 : memref<256x64xf32, #tpu.memory_space<vmem>>) target_semaphore(%dma_start3A_104 : memref<!tpu.dma_semaphore, #tpu.memory_space<semaphore_mem>>)
    %add3A_111 = arith.constant 256 : i32
    %add3A_112 = arith.addi %mul3A_4, %add3A_111 : i32
    %dma_wait3A_113 = arith.constant 1 : i32
    %dma_wait3A_114 = arith.constant 1 : i32
    %dma_wait3A_115 = arith.constant 0 : i32
    %dma_wait3A_116 = arith.constant 0 : i32
    %dma_wait3A_117 = tpu.memref_slice %arg8[%dma_wait3A_113, %dma_wait3A_115, %dma_wait3A_116] : memref<2x256x64xf32, #tpu.memory_space<vmem>> -> memref<1x256x64xf32, #tpu.memory_space<vmem>>
    %dma_wait3A_118 = tpu.memref_squeeze %dma_wait3A_117 : memref<1x256x64xf32, #tpu.memory_space<vmem>> -> memref<256x64xf32, #tpu.memory_space<vmem>>
    %dma_wait3A_119 = arith.constant 0 : i32
    %dma_wait3A_120 = tpu.memref_slice %arg2[%add3A_112, %dma_wait3A_119] : memref<81924x64xf32, #tpu.memory_space<hbm>> -> memref<256x64xf32, #tpu.memory_space<hbm>>
    %dma_wait3A_121 = tpu.memref_slice %arg11[%dma_wait3A_114] : memref<2x!tpu.dma_semaphore, #tpu.memory_space<semaphore_mem>> -> memref<1x!tpu.dma_semaphore, #tpu.memory_space<semaphore_mem>>
    %dma_wait3A_122 = tpu.memref_squeeze %dma_wait3A_121 : memref<1x!tpu.dma_semaphore, #tpu.memory_space<semaphore_mem>> -> memref<!tpu.dma_semaphore, #tpu.memory_space<semaphore_mem>>
    %dma_wait3A_123 = arith.constant 0 : i32
    %dma_wait3A_124 = arith.constant 0 : i32
    %dma_wait3A_125 = tpu.memref_slice %arg8[%dma_wait3A_113, %dma_wait3A_123, %dma_wait3A_124] : memref<2x256x64xf32, #tpu.memory_space<vmem>> -> memref<1x256x64xf32, #tpu.memory_space<vmem>>
    %dma_wait3A_126 = tpu.memref_squeeze %dma_wait3A_125 : memref<1x256x64xf32, #tpu.memory_space<vmem>> -> memref<256x64xf32, #tpu.memory_space<vmem>>
    %dma_wait3A_127 = arith.constant 0 : i32
    %dma_wait3A_128 = tpu.memref_slice %arg2[%add3A_112, %dma_wait3A_127] : memref<81924x64xf32, #tpu.memory_space<hbm>> -> memref<256x64xf32, #tpu.memory_space<hbm>>
    tpu.wait_dma2 semaphore(%dma_wait3A_122 : memref<!tpu.dma_semaphore, #tpu.memory_space<semaphore_mem>>) src(%dma_wait3A_128 : memref<256x64xf32, #tpu.memory_space<hbm>>) dst(%dma_wait3A_126 : memref<256x64xf32, #tpu.memory_space<vmem>>)
    %add3A_129 = arith.constant 256 : i32
    %add3A_130 = arith.addi %mul3A_4, %add3A_129 : i32
    %dma_start3A_131 = arith.constant 1 : i32
    %dma_start3A_132 = arith.constant 1 : i32
    %dma_start3A_133 = arith.constant 0 : i32
    %dma_start3A_134 = arith.constant 0 : i32
    %dma_start3A_135 = tpu.memref_slice %arg8[%dma_start3A_131, %dma_start3A_133, %dma_start3A_134] : memref<2x256x64xf32, #tpu.memory_space<vmem>> -> memref<1x256x64xf32, #tpu.memory_space<vmem>>
    %dma_start3A_136 = tpu.memref_squeeze %dma_start3A_135 : memref<1x256x64xf32, #tpu.memory_space<vmem>> -> memref<256x64xf32, #tpu.memory_space<vmem>>
    %dma_start3A_137 = arith.constant 0 : i32
    %dma_start3A_138 = tpu.memref_slice %arg5[%add3A_130, %dma_start3A_137] : memref<327684x64xf32, #tpu.memory_space<hbm>> -> memref<256x64xf32, #tpu.memory_space<hbm>>
    %dma_start3A_139 = tpu.memref_slice %arg12[%dma_start3A_132] : memref<2x!tpu.dma_semaphore, #tpu.memory_space<semaphore_mem>> -> memref<1x!tpu.dma_semaphore, #tpu.memory_space<semaphore_mem>>
    %dma_start3A_140 = tpu.memref_squeeze %dma_start3A_139 : memref<1x!tpu.dma_semaphore, #tpu.memory_space<semaphore_mem>> -> memref<!tpu.dma_semaphore, #tpu.memory_space<semaphore_mem>>
    %dma_start3A_141 = arith.constant 0 : i32
    %dma_start3A_142 = tpu.memref_slice %arg5[%add3A_130, %dma_start3A_141] : memref<327684x64xf32, #tpu.memory_space<hbm>> -> memref<256x64xf32, #tpu.memory_space<hbm>>
    %dma_start3A_143 = arith.constant 0 : i32
    %dma_start3A_144 = arith.constant 0 : i32
    %dma_start3A_145 = tpu.memref_slice %arg8[%dma_start3A_131, %dma_start3A_143, %dma_start3A_144] : memref<2x256x64xf32, #tpu.memory_space<vmem>> -> memref<1x256x64xf32, #tpu.memory_space<vmem>>
    %dma_start3A_146 = tpu.memref_squeeze %dma_start3A_145 : memref<1x256x64xf32, #tpu.memory_space<vmem>> -> memref<256x64xf32, #tpu.memory_space<vmem>>
    tpu.enqueue_dma source(%dma_start3A_146 : memref<256x64xf32, #tpu.memory_space<vmem>>) target(%dma_start3A_142 : memref<256x64xf32, #tpu.memory_space<hbm>>) target_semaphore(%dma_start3A_140 : memref<!tpu.dma_semaphore, #tpu.memory_space<semaphore_mem>>)
    %add3A_147 = arith.constant 256 : i32
    %add3A_148 = arith.addi %mul3A_4, %add3A_147 : i32
    %dma_wait3A_149 = arith.constant 1 : i32
    %dma_wait3A_150 = arith.constant 1 : i32
    %dma_wait3A_151 = arith.constant 0 : i32
    %dma_wait3A_152 = arith.constant 0 : i32
    %dma_wait3A_153 = tpu.memref_slice %arg8[%dma_wait3A_149, %dma_wait3A_151, %dma_wait3A_152] : memref<2x256x64xf32, #tpu.memory_space<vmem>> -> memref<1x256x64xf32, #tpu.memory_space<vmem>>
    %dma_wait3A_154 = tpu.memref_squeeze %dma_wait3A_153 : memref<1x256x64xf32, #tpu.memory_space<vmem>> -> memref<256x64xf32, #tpu.memory_space<vmem>>
    %dma_wait3A_155 = arith.constant 0 : i32
    %dma_wait3A_156 = tpu.memref_slice %arg5[%add3A_148, %dma_wait3A_155] : memref<327684x64xf32, #tpu.memory_space<hbm>> -> memref<256x64xf32, #tpu.memory_space<hbm>>
    %dma_wait3A_157 = tpu.memref_slice %arg12[%dma_wait3A_150] : memref<2x!tpu.dma_semaphore, #tpu.memory_space<semaphore_mem>> -> memref<1x!tpu.dma_semaphore, #tpu.memory_space<semaphore_mem>>
    %dma_wait3A_158 = tpu.memref_squeeze %dma_wait3A_157 : memref<1x!tpu.dma_semaphore, #tpu.memory_space<semaphore_mem>> -> memref<!tpu.dma_semaphore, #tpu.memory_space<semaphore_mem>>
    %dma_wait3A_159 = arith.constant 0 : i32
    %dma_wait3A_160 = tpu.memref_slice %arg5[%add3A_148, %dma_wait3A_159] : memref<327684x64xf32, #tpu.memory_space<hbm>> -> memref<256x64xf32, #tpu.memory_space<hbm>>
    %dma_wait3A_161 = arith.constant 0 : i32
    %dma_wait3A_162 = arith.constant 0 : i32
    %dma_wait3A_163 = tpu.memref_slice %arg8[%dma_wait3A_149, %dma_wait3A_161, %dma_wait3A_162] : memref<2x256x64xf32, #tpu.memory_space<vmem>> -> memref<1x256x64xf32, #tpu.memory_space<vmem>>
    %dma_wait3A_164 = tpu.memref_squeeze %dma_wait3A_163 : memref<1x256x64xf32, #tpu.memory_space<vmem>> -> memref<256x64xf32, #tpu.memory_space<vmem>>
    tpu.wait_dma2 semaphore(%dma_wait3A_158 : memref<!tpu.dma_semaphore, #tpu.memory_space<semaphore_mem>>) src(%dma_wait3A_164 : memref<256x64xf32, #tpu.memory_space<vmem>>) dst(%dma_wait3A_160 : memref<256x64xf32, #tpu.memory_space<hbm>>)
    %add3A_165 = arith.constant 768 : i32
    %add3A_166 = arith.addi %mul3A_4, %add3A_165 : i32
    %dma_start3A_167 = arith.constant 1 : i32
    %dma_start3A_168 = arith.constant 1 : i32
    %dma_start3A_169 = arith.constant 0 : i32
    %dma_start3A_170 = arith.constant 0 : i32
    %dma_start3A_171 = tpu.memref_slice %arg8[%dma_start3A_167, %dma_start3A_169, %dma_start3A_170] : memref<2x256x64xf32, #tpu.memory_space<vmem>> -> memref<1x256x64xf32, #tpu.memory_space<vmem>>
    %dma_start3A_172 = tpu.memref_squeeze %dma_start3A_171 : memref<1x256x64xf32, #tpu.memory_space<vmem>> -> memref<256x64xf32, #tpu.memory_space<vmem>>
    %dma_start3A_173 = arith.constant 0 : i32
    %dma_start3A_174 = tpu.memref_slice %arg2[%add3A_166, %dma_start3A_173] : memref<81924x64xf32, #tpu.memory_space<hbm>> -> memref<256x64xf32, #tpu.memory_space<hbm>>
    %dma_start3A_175 = tpu.memref_slice %arg11[%dma_start3A_168] : memref<2x!tpu.dma_semaphore, #tpu.memory_space<semaphore_mem>> -> memref<1x!tpu.dma_semaphore, #tpu.memory_space<semaphore_mem>>
    %dma_start3A_176 = tpu.memref_squeeze %dma_start3A_175 : memref<1x!tpu.dma_semaphore, #tpu.memory_space<semaphore_mem>> -> memref<!tpu.dma_semaphore, #tpu.memory_space<semaphore_mem>>
    %dma_start3A_177 = arith.constant 0 : i32
    %dma_start3A_178 = arith.constant 0 : i32
    %dma_start3A_179 = tpu.memref_slice %arg8[%dma_start3A_167, %dma_start3A_177, %dma_start3A_178] : memref<2x256x64xf32, #tpu.memory_space<vmem>> -> memref<1x256x64xf32, #tpu.memory_space<vmem>>
    %dma_start3A_180 = tpu.memref_squeeze %dma_start3A_179 : memref<1x256x64xf32, #tpu.memory_space<vmem>> -> memref<256x64xf32, #tpu.memory_space<vmem>>
    %dma_start3A_181 = arith.constant 0 : i32
    %dma_start3A_182 = tpu.memref_slice %arg2[%add3A_166, %dma_start3A_181] : memref<81924x64xf32, #tpu.memory_space<hbm>> -> memref<256x64xf32, #tpu.memory_space<hbm>>
    tpu.enqueue_dma source(%dma_start3A_182 : memref<256x64xf32, #tpu.memory_space<hbm>>) target(%dma_start3A_180 : memref<256x64xf32, #tpu.memory_space<vmem>>) target_semaphore(%dma_start3A_176 : memref<!tpu.dma_semaphore, #tpu.memory_space<semaphore_mem>>)
    %add3A_183 = arith.constant 512 : i32
    %add3A_184 = arith.addi %mul3A_4, %add3A_183 : i32
    %dma_wait3A_185 = arith.constant 0 : i32
    %dma_wait3A_186 = arith.constant 0 : i32
    %dma_wait3A_187 = arith.constant 0 : i32
    %dma_wait3A_188 = arith.constant 0 : i32
    %dma_wait3A_189 = tpu.memref_slice %arg8[%dma_wait3A_185, %dma_wait3A_187, %dma_wait3A_188] : memref<2x256x64xf32, #tpu.memory_space<vmem>> -> memref<1x256x64xf32, #tpu.memory_space<vmem>>
    %dma_wait3A_190 = tpu.memref_squeeze %dma_wait3A_189 : memref<1x256x64xf32, #tpu.memory_space<vmem>> -> memref<256x64xf32, #tpu.memory_space<vmem>>
    %dma_wait3A_191 = arith.constant 0 : i32
    %dma_wait3A_192 = tpu.memref_slice %arg2[%add3A_184, %dma_wait3A_191] : memref<81924x64xf32, #tpu.memory_space<hbm>> -> memref<256x64xf32, #tpu.memory_space<hbm>>
    %dma_wait3A_193 = tpu.memref_slice %arg11[%dma_wait3A_186] : memref<2x!tpu.dma_semaphore, #tpu.memory_space<semaphore_mem>> -> memref<1x!tpu.dma_semaphore, #tpu.memory_space<semaphore_mem>>
    %dma_wait3A_194 = tpu.memref_squeeze %dma_wait3A_193 : memref<1x!tpu.dma_semaphore, #tpu.memory_space<semaphore_mem>> -> memref<!tpu.dma_semaphore, #tpu.memory_space<semaphore_mem>>
    %dma_wait3A_195 = arith.constant 0 : i32
    %dma_wait3A_196 = arith.constant 0 : i32
    %dma_wait3A_197 = tpu.memref_slice %arg8[%dma_wait3A_185, %dma_wait3A_195, %dma_wait3A_196] : memref<2x256x64xf32, #tpu.memory_space<vmem>> -> memref<1x256x64xf32, #tpu.memory_space<vmem>>
    %dma_wait3A_198 = tpu.memref_squeeze %dma_wait3A_197 : memref<1x256x64xf32, #tpu.memory_space<vmem>> -> memref<256x64xf32, #tpu.memory_space<vmem>>
    %dma_wait3A_199 = arith.constant 0 : i32
    %dma_wait3A_200 = tpu.memref_slice %arg2[%add3A_184, %dma_wait3A_199] : memref<81924x64xf32, #tpu.memory_space<hbm>> -> memref<256x64xf32, #tpu.memory_space<hbm>>
    tpu.wait_dma2 semaphore(%dma_wait3A_194 : memref<!tpu.dma_semaphore, #tpu.memory_space<semaphore_mem>>) src(%dma_wait3A_200 : memref<256x64xf32, #tpu.memory_space<hbm>>) dst(%dma_wait3A_198 : memref<256x64xf32, #tpu.memory_space<vmem>>)
    %add3A_201 = arith.constant 512 : i32
    %add3A_202 = arith.addi %mul3A_4, %add3A_201 : i32
    %dma_start3A_203 = arith.constant 0 : i32
    %dma_start3A_204 = arith.constant 0 : i32
    %dma_start3A_205 = arith.constant 0 : i32
    %dma_start3A_206 = arith.constant 0 : i32
    %dma_start3A_207 = tpu.memref_slice %arg8[%dma_start3A_203, %dma_start3A_205, %dma_start3A_206] : memref<2x256x64xf32, #tpu.memory_space<vmem>> -> memref<1x256x64xf32, #tpu.memory_space<vmem>>
    %dma_start3A_208 = tpu.memref_squeeze %dma_start3A_207 : memref<1x256x64xf32, #tpu.memory_space<vmem>> -> memref<256x64xf32, #tpu.memory_space<vmem>>
    %dma_start3A_209 = arith.constant 0 : i32
    %dma_start3A_210 = tpu.memref_slice %arg5[%add3A_202, %dma_start3A_209] : memref<327684x64xf32, #tpu.memory_space<hbm>> -> memref<256x64xf32, #tpu.memory_space<hbm>>
    %dma_start3A_211 = tpu.memref_slice %arg12[%dma_start3A_204] : memref<2x!tpu.dma_semaphore, #tpu.memory_space<semaphore_mem>> -> memref<1x!tpu.dma_semaphore, #tpu.memory_space<semaphore_mem>>
    %dma_start3A_212 = tpu.memref_squeeze %dma_start3A_211 : memref<1x!tpu.dma_semaphore, #tpu.memory_space<semaphore_mem>> -> memref<!tpu.dma_semaphore, #tpu.memory_space<semaphore_mem>>
    %dma_start3A_213 = arith.constant 0 : i32
    %dma_start3A_214 = tpu.memref_slice %arg5[%add3A_202, %dma_start3A_213] : memref<327684x64xf32, #tpu.memory_space<hbm>> -> memref<256x64xf32, #tpu.memory_space<hbm>>
    %dma_start3A_215 = arith.constant 0 : i32
    %dma_start3A_216 = arith.constant 0 : i32
    %dma_start3A_217 = tpu.memref_slice %arg8[%dma_start3A_203, %dma_start3A_215, %dma_start3A_216] : memref<2x256x64xf32, #tpu.memory_space<vmem>> -> memref<1x256x64xf32, #tpu.memory_space<vmem>>
    %dma_start3A_218 = tpu.memref_squeeze %dma_start3A_217 : memref<1x256x64xf32, #tpu.memory_space<vmem>> -> memref<256x64xf32, #tpu.memory_space<vmem>>
    tpu.enqueue_dma source(%dma_start3A_218 : memref<256x64xf32, #tpu.memory_space<vmem>>) target(%dma_start3A_214 : memref<256x64xf32, #tpu.memory_space<hbm>>) target_semaphore(%dma_start3A_212 : memref<!tpu.dma_semaphore, #tpu.memory_space<semaphore_mem>>)
    %add3A_219 = arith.constant 512 : i32
    %add3A_220 = arith.addi %mul3A_4, %add3A_219 : i32
    %dma_wait3A_221 = arith.constant 0 : i32
    %dma_wait3A_222 = arith.constant 0 : i32
    %dma_wait3A_223 = arith.constant 0 : i32
    %dma_wait3A_224 = arith.constant 0 : i32
    %dma_wait3A_225 = tpu.memref_slice %arg8[%dma_wait3A_221, %dma_wait3A_223, %dma_wait3A_224] : memref<2x256x64xf32, #tpu.memory_space<vmem>> -> memref<1x256x64xf32, #tpu.memory_space<vmem>>
    %dma_wait3A_226 = tpu.memref_squeeze %dma_wait3A_225 : memref<1x256x64xf32, #tpu.memory_space<vmem>> -> memref<256x64xf32, #tpu.memory_space<vmem>>
    %dma_wait3A_227 = arith.constant 0 : i32
    %dma_wait3A_228 = tpu.memref_slice %arg5[%add3A_220, %dma_wait3A_227] : memref<327684x64xf32, #tpu.memory_space<hbm>> -> memref<256x64xf32, #tpu.memory_space<hbm>>
    %dma_wait3A_229 = tpu.memref_slice %arg12[%dma_wait3A_222] : memref<2x!tpu.dma_semaphore, #tpu.memory_space<semaphore_mem>> -> memref<1x!tpu.dma_semaphore, #tpu.memory_space<semaphore_mem>>
    %dma_wait3A_230 = tpu.memref_squeeze %dma_wait3A_229 : memref<1x!tpu.dma_semaphore, #tpu.memory_space<semaphore_mem>> -> memref<!tpu.dma_semaphore, #tpu.memory_space<semaphore_mem>>
    %dma_wait3A_231 = arith.constant 0 : i32
    %dma_wait3A_232 = tpu.memref_slice %arg5[%add3A_220, %dma_wait3A_231] : memref<327684x64xf32, #tpu.memory_space<hbm>> -> memref<256x64xf32, #tpu.memory_space<hbm>>
    %dma_wait3A_233 = arith.constant 0 : i32
    %dma_wait3A_234 = arith.constant 0 : i32
    %dma_wait3A_235 = tpu.memref_slice %arg8[%dma_wait3A_221, %dma_wait3A_233, %dma_wait3A_234] : memref<2x256x64xf32, #tpu.memory_space<vmem>> -> memref<1x256x64xf32, #tpu.memory_space<vmem>>
    %dma_wait3A_236 = tpu.memref_squeeze %dma_wait3A_235 : memref<1x256x64xf32, #tpu.memory_space<vmem>> -> memref<256x64xf32, #tpu.memory_space<vmem>>
    tpu.wait_dma2 semaphore(%dma_wait3A_230 : memref<!tpu.dma_semaphore, #tpu.memory_space<semaphore_mem>>) src(%dma_wait3A_236 : memref<256x64xf32, #tpu.memory_space<vmem>>) dst(%dma_wait3A_232 : memref<256x64xf32, #tpu.memory_space<hbm>>)
    %add3A_237 = arith.constant 1024 : i32
    %add3A_238 = arith.addi %mul3A_4, %add3A_237 : i32
    %dma_start3A_239 = arith.constant 0 : i32
    %dma_start3A_240 = arith.constant 0 : i32
    %dma_start3A_241 = arith.constant 0 : i32
    %dma_start3A_242 = arith.constant 0 : i32
    %dma_start3A_243 = tpu.memref_slice %arg8[%dma_start3A_239, %dma_start3A_241, %dma_start3A_242] : memref<2x256x64xf32, #tpu.memory_space<vmem>> -> memref<1x256x64xf32, #tpu.memory_space<vmem>>
    %dma_start3A_244 = tpu.memref_squeeze %dma_start3A_243 : memref<1x256x64xf32, #tpu.memory_space<vmem>> -> memref<256x64xf32, #tpu.memory_space<vmem>>
    %dma_start3A_245 = arith.constant 0 : i32
    %dma_start3A_246 = tpu.memref_slice %arg2[%add3A_238, %dma_start3A_245] : memref<81924x64xf32, #tpu.memory_space<hbm>> -> memref<256x64xf32, #tpu.memory_space<hbm>>
    %dma_start3A_247 = tpu.memref_slice %arg11[%dma_start3A_240] : memref<2x!tpu.dma_semaphore, #tpu.memory_space<semaphore_mem>> -> memref<1x!tpu.dma_semaphore, #tpu.memory_space<semaphore_mem>>
    %dma_start3A_248 = tpu.memref_squeeze %dma_start3A_247 : memref<1x!tpu.dma_semaphore, #tpu.memory_space<semaphore_mem>> -> memref<!tpu.dma_semaphore, #tpu.memory_space<semaphore_mem>>
    %dma_start3A_249 = arith.constant 0 : i32
    %dma_start3A_250 = arith.constant 0 : i32
    %dma_start3A_251 = tpu.memref_slice %arg8[%dma_start3A_239, %dma_start3A_249, %dma_start3A_250] : memref<2x256x64xf32, #tpu.memory_space<vmem>> -> memref<1x256x64xf32, #tpu.memory_space<vmem>>
    %dma_start3A_252 = tpu.memref_squeeze %dma_start3A_251 : memref<1x256x64xf32, #tpu.memory_space<vmem>> -> memref<256x64xf32, #tpu.memory_space<vmem>>
    %dma_start3A_253 = arith.constant 0 : i32
    %dma_start3A_254 = tpu.memref_slice %arg2[%add3A_238, %dma_start3A_253] : memref<81924x64xf32, #tpu.memory_space<hbm>> -> memref<256x64xf32, #tpu.memory_space<hbm>>
    tpu.enqueue_dma source(%dma_start3A_254 : memref<256x64xf32, #tpu.memory_space<hbm>>) target(%dma_start3A_252 : memref<256x64xf32, #tpu.memory_space<vmem>>) target_semaphore(%dma_start3A_248 : memref<!tpu.dma_semaphore, #tpu.memory_space<semaphore_mem>>)
    %add3A_255 = arith.constant 768 : i32
    %add3A_256 = arith.addi %mul3A_4, %add3A_255 : i32
    %dma_wait3A_257 = arith.constant 1 : i32
    %dma_wait3A_258 = arith.constant 1 : i32
    %dma_wait3A_259 = arith.constant 0 : i32
    %dma_wait3A_260 = arith.constant 0 : i32
    %dma_wait3A_261 = tpu.memref_slice %arg8[%dma_wait3A_257, %dma_wait3A_259, %dma_wait3A_260] : memref<2x256x64xf32, #tpu.memory_space<vmem>> -> memref<1x256x64xf32, #tpu.memory_space<vmem>>
    %dma_wait3A_262 = tpu.memref_squeeze %dma_wait3A_261 : memref<1x256x64xf32, #tpu.memory_space<vmem>> -> memref<256x64xf32, #tpu.memory_space<vmem>>
    %dma_wait3A_263 = arith.constant 0 : i32
    %dma_wait3A_264 = tpu.memref_slice %arg2[%add3A_256, %dma_wait3A_263] : memref<81924x64xf32, #tpu.memory_space<hbm>> -> memref<256x64xf32, #tpu.memory_space<hbm>>
    %dma_wait3A_265 = tpu.memref_slice %arg11[%dma_wait3A_258] : memref<2x!tpu.dma_semaphore, #tpu.memory_space<semaphore_mem>> -> memref<1x!tpu.dma_semaphore, #tpu.memory_space<semaphore_mem>>
    %dma_wait3A_266 = tpu.memref_squeeze %dma_wait3A_265 : memref<1x!tpu.dma_semaphore, #tpu.memory_space<semaphore_mem>> -> memref<!tpu.dma_semaphore, #tpu.memory_space<semaphore_mem>>
    %dma_wait3A_267 = arith.constant 0 : i32
    %dma_wait3A_268 = arith.constant 0 : i32
    %dma_wait3A_269 = tpu.memref_slice %arg8[%dma_wait3A_257, %dma_wait3A_267, %dma_wait3A_268] : memref<2x256x64xf32, #tpu.memory_space<vmem>> -> memref<1x256x64xf32, #tpu.memory_space<vmem>>
    %dma_wait3A_270 = tpu.memref_squeeze %dma_wait3A_269 : memref<1x256x64xf32, #tpu.memory_space<vmem>> -> memref<256x64xf32, #tpu.memory_space<vmem>>
    %dma_wait3A_271 = arith.constant 0 : i32
    %dma_wait3A_272 = tpu.memref_slice %arg2[%add3A_256, %dma_wait3A_271] : memref<81924x64xf32, #tpu.memory_space<hbm>> -> memref<256x64xf32, #tpu.memory_space<hbm>>
    tpu.wait_dma2 semaphore(%dma_wait3A_266 : memref<!tpu.dma_semaphore, #tpu.memory_space<semaphore_mem>>) src(%dma_wait3A_272 : memref<256x64xf32, #tpu.memory_space<hbm>>) dst(%dma_wait3A_270 : memref<256x64xf32, #tpu.memory_space<vmem>>)
    %add3A_273 = arith.constant 768 : i32
    %add3A_274 = arith.addi %mul3A_4, %add3A_273 : i32
    %dma_start3A_275 = arith.constant 1 : i32
    %dma_start3A_276 = arith.constant 1 : i32
    %dma_start3A_277 = arith.constant 0 : i32
    %dma_start3A_278 = arith.constant 0 : i32
    %dma_start3A_279 = tpu.memref_slice %arg8[%dma_start3A_275, %dma_start3A_277, %dma_start3A_278] : memref<2x256x64xf32, #tpu.memory_space<vmem>> -> memref<1x256x64xf32, #tpu.memory_space<vmem>>
    %dma_start3A_280 = tpu.memref_squeeze %dma_start3A_279 : memref<1x256x64xf32, #tpu.memory_space<vmem>> -> memref<256x64xf32, #tpu.memory_space<vmem>>
    %dma_start3A_281 = arith.constant 0 : i32
    %dma_start3A_282 = tpu.memref_slice %arg5[%add3A_274, %dma_start3A_281] : memref<327684x64xf32, #tpu.memory_space<hbm>> -> memref<256x64xf32, #tpu.memory_space<hbm>>
    %dma_start3A_283 = tpu.memref_slice %arg12[%dma_start3A_276] : memref<2x!tpu.dma_semaphore, #tpu.memory_space<semaphore_mem>> -> memref<1x!tpu.dma_semaphore, #tpu.memory_space<semaphore_mem>>
    %dma_start3A_284 = tpu.memref_squeeze %dma_start3A_283 : memref<1x!tpu.dma_semaphore, #tpu.memory_space<semaphore_mem>> -> memref<!tpu.dma_semaphore, #tpu.memory_space<semaphore_mem>>
    %dma_start3A_285 = arith.constant 0 : i32
    %dma_start3A_286 = tpu.memref_slice %arg5[%add3A_274, %dma_start3A_285] : memref<327684x64xf32, #tpu.memory_space<hbm>> -> memref<256x64xf32, #tpu.memory_space<hbm>>
    %dma_start3A_287 = arith.constant 0 : i32
    %dma_start3A_288 = arith.constant 0 : i32
    %dma_start3A_289 = tpu.memref_slice %arg8[%dma_start3A_275, %dma_start3A_287, %dma_start3A_288] : memref<2x256x64xf32, #tpu.memory_space<vmem>> -> memref<1x256x64xf32, #tpu.memory_space<vmem>>
    %dma_start3A_290 = tpu.memref_squeeze %dma_start3A_289 : memref<1x256x64xf32, #tpu.memory_space<vmem>> -> memref<256x64xf32, #tpu.memory_space<vmem>>
    tpu.enqueue_dma source(%dma_start3A_290 : memref<256x64xf32, #tpu.memory_space<vmem>>) target(%dma_start3A_286 : memref<256x64xf32, #tpu.memory_space<hbm>>) target_semaphore(%dma_start3A_284 : memref<!tpu.dma_semaphore, #tpu.memory_space<semaphore_mem>>)
    %add3A_291 = arith.constant 768 : i32
    %add3A_292 = arith.addi %mul3A_4, %add3A_291 : i32
    %dma_wait3A_293 = arith.constant 1 : i32
    %dma_wait3A_294 = arith.constant 1 : i32
    %dma_wait3A_295 = arith.constant 0 : i32
    %dma_wait3A_296 = arith.constant 0 : i32
    %dma_wait3A_297 = tpu.memref_slice %arg8[%dma_wait3A_293, %dma_wait3A_295, %dma_wait3A_296] : memref<2x256x64xf32, #tpu.memory_space<vmem>> -> memref<1x256x64xf32, #tpu.memory_space<vmem>>
    %dma_wait3A_298 = tpu.memref_squeeze %dma_wait3A_297 : memref<1x256x64xf32, #tpu.memory_space<vmem>> -> memref<256x64xf32, #tpu.memory_space<vmem>>
    %dma_wait3A_299 = arith.constant 0 : i32
    %dma_wait3A_300 = tpu.memref_slice %arg5[%add3A_292, %dma_wait3A_299] : memref<327684x64xf32, #tpu.memory_space<hbm>> -> memref<256x64xf32, #tpu.memory_space<hbm>>
    %dma_wait3A_301 = tpu.memref_slice %arg12[%dma_wait3A_294] : memref<2x!tpu.dma_semaphore, #tpu.memory_space<semaphore_mem>> -> memref<1x!tpu.dma_semaphore, #tpu.memory_space<semaphore_mem>>
    %dma_wait3A_302 = tpu.memref_squeeze %dma_wait3A_301 : memref<1x!tpu.dma_semaphore, #tpu.memory_space<semaphore_mem>> -> memref<!tpu.dma_semaphore, #tpu.memory_space<semaphore_mem>>
    %dma_wait3A_303 = arith.constant 0 : i32
    %dma_wait3A_304 = tpu.memref_slice %arg5[%add3A_292, %dma_wait3A_303] : memref<327684x64xf32, #tpu.memory_space<hbm>> -> memref<256x64xf32, #tpu.memory_space<hbm>>
    %dma_wait3A_305 = arith.constant 0 : i32
    %dma_wait3A_306 = arith.constant 0 : i32
    %dma_wait3A_307 = tpu.memref_slice %arg8[%dma_wait3A_293, %dma_wait3A_305, %dma_wait3A_306] : memref<2x256x64xf32, #tpu.memory_space<vmem>> -> memref<1x256x64xf32, #tpu.memory_space<vmem>>
    %dma_wait3A_308 = tpu.memref_squeeze %dma_wait3A_307 : memref<1x256x64xf32, #tpu.memory_space<vmem>> -> memref<256x64xf32, #tpu.memory_space<vmem>>
    tpu.wait_dma2 semaphore(%dma_wait3A_302 : memref<!tpu.dma_semaphore, #tpu.memory_space<semaphore_mem>>) src(%dma_wait3A_308 : memref<256x64xf32, #tpu.memory_space<vmem>>) dst(%dma_wait3A_304 : memref<256x64xf32, #tpu.memory_space<hbm>>)
    %add3A_309 = arith.constant 1280 : i32
    %add3A_310 = arith.addi %mul3A_4, %add3A_309 : i32
    %dma_start3A_311 = arith.constant 1 : i32
    %dma_start3A_312 = arith.constant 1 : i32
    %dma_start3A_313 = arith.constant 0 : i32
    %dma_start3A_314 = arith.constant 0 : i32
    %dma_start3A_315 = tpu.memref_slice %arg8[%dma_start3A_311, %dma_start3A_313, %dma_start3A_314] : memref<2x256x64xf32, #tpu.memory_space<vmem>> -> memref<1x256x64xf32, #tpu.memory_space<vmem>>
    %dma_start3A_316 = tpu.memref_squeeze %dma_start3A_315 : memref<1x256x64xf32, #tpu.memory_space<vmem>> -> memref<256x64xf32, #tpu.memory_space<vmem>>
    %dma_start3A_317 = arith.constant 0 : i32
    %dma_start3A_318 = tpu.memref_slice %arg2[%add3A_310, %dma_start3A_317] : memref<81924x64xf32, #tpu.memory_space<hbm>> -> memref<256x64xf32, #tpu.memory_space<hbm>>
    %dma_start3A_319 = tpu.memref_slice %arg11[%dma_start3A_312] : memref<2x!tpu.dma_semaphore, #tpu.memory_space<semaphore_mem>> -> memref<1x!tpu.dma_semaphore, #tpu.memory_space<semaphore_mem>>
    %dma_start3A_320 = tpu.memref_squeeze %dma_start3A_319 : memref<1x!tpu.dma_semaphore, #tpu.memory_space<semaphore_mem>> -> memref<!tpu.dma_semaphore, #tpu.memory_space<semaphore_mem>>
    %dma_start3A_321 = arith.constant 0 : i32
    %dma_start3A_322 = arith.constant 0 : i32
    %dma_start3A_323 = tpu.memref_slice %arg8[%dma_start3A_311, %dma_start3A_321, %dma_start3A_322] : memref<2x256x64xf32, #tpu.memory_space<vmem>> -> memref<1x256x64xf32, #tpu.memory_space<vmem>>
    %dma_start3A_324 = tpu.memref_squeeze %dma_start3A_323 : memref<1x256x64xf32, #tpu.memory_space<vmem>> -> memref<256x64xf32, #tpu.memory_space<vmem>>
    %dma_start3A_325 = arith.constant 0 : i32
    %dma_start3A_326 = tpu.memref_slice %arg2[%add3A_310, %dma_start3A_325] : memref<81924x64xf32, #tpu.memory_space<hbm>> -> memref<256x64xf32, #tpu.memory_space<hbm>>
    tpu.enqueue_dma source(%dma_start3A_326 : memref<256x64xf32, #tpu.memory_space<hbm>>) target(%dma_start3A_324 : memref<256x64xf32, #tpu.memory_space<vmem>>) target_semaphore(%dma_start3A_320 : memref<!tpu.dma_semaphore, #tpu.memory_space<semaphore_mem>>)
    %add3A_327 = arith.constant 1024 : i32
    %add3A_328 = arith.addi %mul3A_4, %add3A_327 : i32
    %dma_wait3A_329 = arith.constant 0 : i32
    %dma_wait3A_330 = arith.constant 0 : i32
    %dma_wait3A_331 = arith.constant 0 : i32
    %dma_wait3A_332 = arith.constant 0 : i32
    %dma_wait3A_333 = tpu.memref_slice %arg8[%dma_wait3A_329, %dma_wait3A_331, %dma_wait3A_332] : memref<2x256x64xf32, #tpu.memory_space<vmem>> -> memref<1x256x64xf32, #tpu.memory_space<vmem>>
    %dma_wait3A_334 = tpu.memref_squeeze %dma_wait3A_333 : memref<1x256x64xf32, #tpu.memory_space<vmem>> -> memref<256x64xf32, #tpu.memory_space<vmem>>
    %dma_wait3A_335 = arith.constant 0 : i32
    %dma_wait3A_336 = tpu.memref_slice %arg2[%add3A_328, %dma_wait3A_335] : memref<81924x64xf32, #tpu.memory_space<hbm>> -> memref<256x64xf32, #tpu.memory_space<hbm>>
    %dma_wait3A_337 = tpu.memref_slice %arg11[%dma_wait3A_330] : memref<2x!tpu.dma_semaphore, #tpu.memory_space<semaphore_mem>> -> memref<1x!tpu.dma_semaphore, #tpu.memory_space<semaphore_mem>>
    %dma_wait3A_338 = tpu.memref_squeeze %dma_wait3A_337 : memref<1x!tpu.dma_semaphore, #tpu.memory_space<semaphore_mem>> -> memref<!tpu.dma_semaphore, #tpu.memory_space<semaphore_mem>>
    %dma_wait3A_339 = arith.constant 0 : i32
    %dma_wait3A_340 = arith.constant 0 : i32
    %dma_wait3A_341 = tpu.memref_slice %arg8[%dma_wait3A_329, %dma_wait3A_339, %dma_wait3A_340] : memref<2x256x64xf32, #tpu.memory_space<vmem>> -> memref<1x256x64xf32, #tpu.memory_space<vmem>>
    %dma_wait3A_342 = tpu.memref_squeeze %dma_wait3A_341 : memref<1x256x64xf32, #tpu.memory_space<vmem>> -> memref<256x64xf32, #tpu.memory_space<vmem>>
    %dma_wait3A_343 = arith.constant 0 : i32
    %dma_wait3A_344 = tpu.memref_slice %arg2[%add3A_328, %dma_wait3A_343] : memref<81924x64xf32, #tpu.memory_space<hbm>> -> memref<256x64xf32, #tpu.memory_space<hbm>>
    tpu.wait_dma2 semaphore(%dma_wait3A_338 : memref<!tpu.dma_semaphore, #tpu.memory_space<semaphore_mem>>) src(%dma_wait3A_344 : memref<256x64xf32, #tpu.memory_space<hbm>>) dst(%dma_wait3A_342 : memref<256x64xf32, #tpu.memory_space<vmem>>)
    %add3A_345 = arith.constant 1024 : i32
    %add3A_346 = arith.addi %mul3A_4, %add3A_345 : i32
    %dma_start3A_347 = arith.constant 0 : i32
    %dma_start3A_348 = arith.constant 0 : i32
    %dma_start3A_349 = arith.constant 0 : i32
    %dma_start3A_350 = arith.constant 0 : i32
    %dma_start3A_351 = tpu.memref_slice %arg8[%dma_start3A_347, %dma_start3A_349, %dma_start3A_350] : memref<2x256x64xf32, #tpu.memory_space<vmem>> -> memref<1x256x64xf32, #tpu.memory_space<vmem>>
    %dma_start3A_352 = tpu.memref_squeeze %dma_start3A_351 : memref<1x256x64xf32, #tpu.memory_space<vmem>> -> memref<256x64xf32, #tpu.memory_space<vmem>>
    %dma_start3A_353 = arith.constant 0 : i32
    %dma_start3A_354 = tpu.memref_slice %arg5[%add3A_346, %dma_start3A_353] : memref<327684x64xf32, #tpu.memory_space<hbm>> -> memref<256x64xf32, #tpu.memory_space<hbm>>
    %dma_start3A_355 = tpu.memref_slice %arg12[%dma_start3A_348] : memref<2x!tpu.dma_semaphore, #tpu.memory_space<semaphore_mem>> -> memref<1x!tpu.dma_semaphore, #tpu.memory_space<semaphore_mem>>
    %dma_start3A_356 = tpu.memref_squeeze %dma_start3A_355 : memref<1x!tpu.dma_semaphore, #tpu.memory_space<semaphore_mem>> -> memref<!tpu.dma_semaphore, #tpu.memory_space<semaphore_mem>>
    %dma_start3A_357 = arith.constant 0 : i32
    %dma_start3A_358 = tpu.memref_slice %arg5[%add3A_346, %dma_start3A_357] : memref<327684x64xf32, #tpu.memory_space<hbm>> -> memref<256x64xf32, #tpu.memory_space<hbm>>
    %dma_start3A_359 = arith.constant 0 : i32
    %dma_start3A_360 = arith.constant 0 : i32
    %dma_start3A_361 = tpu.memref_slice %arg8[%dma_start3A_347, %dma_start3A_359, %dma_start3A_360] : memref<2x256x64xf32, #tpu.memory_space<vmem>> -> memref<1x256x64xf32, #tpu.memory_space<vmem>>
    %dma_start3A_362 = tpu.memref_squeeze %dma_start3A_361 : memref<1x256x64xf32, #tpu.memory_space<vmem>> -> memref<256x64xf32, #tpu.memory_space<vmem>>
    tpu.enqueue_dma source(%dma_start3A_362 : memref<256x64xf32, #tpu.memory_space<vmem>>) target(%dma_start3A_358 : memref<256x64xf32, #tpu.memory_space<hbm>>) target_semaphore(%dma_start3A_356 : memref<!tpu.dma_semaphore, #tpu.memory_space<semaphore_mem>>)
    %add3A_363 = arith.constant 1024 : i32
    %add3A_364 = arith.addi %mul3A_4, %add3A_363 : i32
    %dma_wait3A_365 = arith.constant 0 : i32
    %dma_wait3A_366 = arith.constant 0 : i32
    %dma_wait3A_367 = arith.constant 0 : i32
    %dma_wait3A_368 = arith.constant 0 : i32
    %dma_wait3A_369 = tpu.memref_slice %arg8[%dma_wait3A_365, %dma_wait3A_367, %dma_wait3A_368] : memref<2x256x64xf32, #tpu.memory_space<vmem>> -> memref<1x256x64xf32, #tpu.memory_space<vmem>>
    %dma_wait3A_370 = tpu.memref_squeeze %dma_wait3A_369 : memref<1x256x64xf32, #tpu.memory_space<vmem>> -> memref<256x64xf32, #tpu.memory_space<vmem>>
    %dma_wait3A_371 = arith.constant 0 : i32
    %dma_wait3A_372 = tpu.memref_slice %arg5[%add3A_364, %dma_wait3A_371] : memref<327684x64xf32, #tpu.memory_space<hbm>> -> memref<256x64xf32, #tpu.memory_space<hbm>>
    %dma_wait3A_373 = tpu.memref_slice %arg12[%dma_wait3A_366] : memref<2x!tpu.dma_semaphore, #tpu.memory_space<semaphore_mem>> -> memref<1x!tpu.dma_semaphore, #tpu.memory_space<semaphore_mem>>
    %dma_wait3A_374 = tpu.memref_squeeze %dma_wait3A_373 : memref<1x!tpu.dma_semaphore, #tpu.memory_space<semaphore_mem>> -> memref<!tpu.dma_semaphore, #tpu.memory_space<semaphore_mem>>
    %dma_wait3A_375 = arith.constant 0 : i32
    %dma_wait3A_376 = tpu.memref_slice %arg5[%add3A_364, %dma_wait3A_375] : memref<327684x64xf32, #tpu.memory_space<hbm>> -> memref<256x64xf32, #tpu.memory_space<hbm>>
    %dma_wait3A_377 = arith.constant 0 : i32
    %dma_wait3A_378 = arith.constant 0 : i32
    %dma_wait3A_379 = tpu.memref_slice %arg8[%dma_wait3A_365, %dma_wait3A_377, %dma_wait3A_378] : memref<2x256x64xf32, #tpu.memory_space<vmem>> -> memref<1x256x64xf32, #tpu.memory_space<vmem>>
    %dma_wait3A_380 = tpu.memref_squeeze %dma_wait3A_379 : memref<1x256x64xf32, #tpu.memory_space<vmem>> -> memref<256x64xf32, #tpu.memory_space<vmem>>
    tpu.wait_dma2 semaphore(%dma_wait3A_374 : memref<!tpu.dma_semaphore, #tpu.memory_space<semaphore_mem>>) src(%dma_wait3A_380 : memref<256x64xf32, #tpu.memory_space<vmem>>) dst(%dma_wait3A_376 : memref<256x64xf32, #tpu.memory_space<hbm>>)
    %add3A_381 = arith.constant 1536 : i32
    %add3A_382 = arith.addi %mul3A_4, %add3A_381 : i32
    %dma_start3A_383 = arith.constant 0 : i32
    %dma_start3A_384 = arith.constant 0 : i32
    %dma_start3A_385 = arith.constant 0 : i32
    %dma_start3A_386 = arith.constant 0 : i32
    %dma_start3A_387 = tpu.memref_slice %arg8[%dma_start3A_383, %dma_start3A_385, %dma_start3A_386] : memref<2x256x64xf32, #tpu.memory_space<vmem>> -> memref<1x256x64xf32, #tpu.memory_space<vmem>>
    %dma_start3A_388 = tpu.memref_squeeze %dma_start3A_387 : memref<1x256x64xf32, #tpu.memory_space<vmem>> -> memref<256x64xf32, #tpu.memory_space<vmem>>
    %dma_start3A_389 = arith.constant 0 : i32
    %dma_start3A_390 = tpu.memref_slice %arg2[%add3A_382, %dma_start3A_389] : memref<81924x64xf32, #tpu.memory_space<hbm>> -> memref<256x64xf32, #tpu.memory_space<hbm>>
    %dma_start3A_391 = tpu.memref_slice %arg11[%dma_start3A_384] : memref<2x!tpu.dma_semaphore, #tpu.memory_space<semaphore_mem>> -> memref<1x!tpu.dma_semaphore, #tpu.memory_space<semaphore_mem>>
    %dma_start3A_392 = tpu.memref_squeeze %dma_start3A_391 : memref<1x!tpu.dma_semaphore, #tpu.memory_space<semaphore_mem>> -> memref<!tpu.dma_semaphore, #tpu.memory_space<semaphore_mem>>
    %dma_start3A_393 = arith.constant 0 : i32
    %dma_start3A_394 = arith.constant 0 : i32
    %dma_start3A_395 = tpu.memref_slice %arg8[%dma_start3A_383, %dma_start3A_393, %dma_start3A_394] : memref<2x256x64xf32, #tpu.memory_space<vmem>> -> memref<1x256x64xf32, #tpu.memory_space<vmem>>
    %dma_start3A_396 = tpu.memref_squeeze %dma_start3A_395 : memref<1x256x64xf32, #tpu.memory_space<vmem>> -> memref<256x64xf32, #tpu.memory_space<vmem>>
    %dma_start3A_397 = arith.constant 0 : i32
    %dma_start3A_398 = tpu.memref_slice %arg2[%add3A_382, %dma_start3A_397] : memref<81924x64xf32, #tpu.memory_space<hbm>> -> memref<256x64xf32, #tpu.memory_space<hbm>>
    tpu.enqueue_dma source(%dma_start3A_398 : memref<256x64xf32, #tpu.memory_space<hbm>>) target(%dma_start3A_396 : memref<256x64xf32, #tpu.memory_space<vmem>>) target_semaphore(%dma_start3A_392 : memref<!tpu.dma_semaphore, #tpu.memory_space<semaphore_mem>>)
    %add3A_399 = arith.constant 1280 : i32
    %add3A_400 = arith.addi %mul3A_4, %add3A_399 : i32
    %dma_wait3A_401 = arith.constant 1 : i32
    %dma_wait3A_402 = arith.constant 1 : i32
    %dma_wait3A_403 = arith.constant 0 : i32
    %dma_wait3A_404 = arith.constant 0 : i32
    %dma_wait3A_405 = tpu.memref_slice %arg8[%dma_wait3A_401, %dma_wait3A_403, %dma_wait3A_404] : memref<2x256x64xf32, #tpu.memory_space<vmem>> -> memref<1x256x64xf32, #tpu.memory_space<vmem>>
    %dma_wait3A_406 = tpu.memref_squeeze %dma_wait3A_405 : memref<1x256x64xf32, #tpu.memory_space<vmem>> -> memref<256x64xf32, #tpu.memory_space<vmem>>
    %dma_wait3A_407 = arith.constant 0 : i32
    %dma_wait3A_408 = tpu.memref_slice %arg2[%add3A_400, %dma_wait3A_407] : memref<81924x64xf32, #tpu.memory_space<hbm>> -> memref<256x64xf32, #tpu.memory_space<hbm>>
    %dma_wait3A_409 = tpu.memref_slice %arg11[%dma_wait3A_402] : memref<2x!tpu.dma_semaphore, #tpu.memory_space<semaphore_mem>> -> memref<1x!tpu.dma_semaphore, #tpu.memory_space<semaphore_mem>>
    %dma_wait3A_410 = tpu.memref_squeeze %dma_wait3A_409 : memref<1x!tpu.dma_semaphore, #tpu.memory_space<semaphore_mem>> -> memref<!tpu.dma_semaphore, #tpu.memory_space<semaphore_mem>>
    %dma_wait3A_411 = arith.constant 0 : i32
    %dma_wait3A_412 = arith.constant 0 : i32
    %dma_wait3A_413 = tpu.memref_slice %arg8[%dma_wait3A_401, %dma_wait3A_411, %dma_wait3A_412] : memref<2x256x64xf32, #tpu.memory_space<vmem>> -> memref<1x256x64xf32, #tpu.memory_space<vmem>>
    %dma_wait3A_414 = tpu.memref_squeeze %dma_wait3A_413 : memref<1x256x64xf32, #tpu.memory_space<vmem>> -> memref<256x64xf32, #tpu.memory_space<vmem>>
    %dma_wait3A_415 = arith.constant 0 : i32
    %dma_wait3A_416 = tpu.memref_slice %arg2[%add3A_400, %dma_wait3A_415] : memref<81924x64xf32, #tpu.memory_space<hbm>> -> memref<256x64xf32, #tpu.memory_space<hbm>>
    tpu.wait_dma2 semaphore(%dma_wait3A_410 : memref<!tpu.dma_semaphore, #tpu.memory_space<semaphore_mem>>) src(%dma_wait3A_416 : memref<256x64xf32, #tpu.memory_space<hbm>>) dst(%dma_wait3A_414 : memref<256x64xf32, #tpu.memory_space<vmem>>)
    %add3A_417 = arith.constant 1280 : i32
    %add3A_418 = arith.addi %mul3A_4, %add3A_417 : i32
    %dma_start3A_419 = arith.constant 1 : i32
    %dma_start3A_420 = arith.constant 1 : i32
    %dma_start3A_421 = arith.constant 0 : i32
    %dma_start3A_422 = arith.constant 0 : i32
    %dma_start3A_423 = tpu.memref_slice %arg8[%dma_start3A_419, %dma_start3A_421, %dma_start3A_422] : memref<2x256x64xf32, #tpu.memory_space<vmem>> -> memref<1x256x64xf32, #tpu.memory_space<vmem>>
    %dma_start3A_424 = tpu.memref_squeeze %dma_start3A_423 : memref<1x256x64xf32, #tpu.memory_space<vmem>> -> memref<256x64xf32, #tpu.memory_space<vmem>>
    %dma_start3A_425 = arith.constant 0 : i32
    %dma_start3A_426 = tpu.memref_slice %arg5[%add3A_418, %dma_start3A_425] : memref<327684x64xf32, #tpu.memory_space<hbm>> -> memref<256x64xf32, #tpu.memory_space<hbm>>
    %dma_start3A_427 = tpu.memref_slice %arg12[%dma_start3A_420] : memref<2x!tpu.dma_semaphore, #tpu.memory_space<semaphore_mem>> -> memref<1x!tpu.dma_semaphore, #tpu.memory_space<semaphore_mem>>
    %dma_start3A_428 = tpu.memref_squeeze %dma_start3A_427 : memref<1x!tpu.dma_semaphore, #tpu.memory_space<semaphore_mem>> -> memref<!tpu.dma_semaphore, #tpu.memory_space<semaphore_mem>>
    %dma_start3A_429 = arith.constant 0 : i32
    %dma_start3A_430 = tpu.memref_slice %arg5[%add3A_418, %dma_start3A_429] : memref<327684x64xf32, #tpu.memory_space<hbm>> -> memref<256x64xf32, #tpu.memory_space<hbm>>
    %dma_start3A_431 = arith.constant 0 : i32
    %dma_start3A_432 = arith.constant 0 : i32
    %dma_start3A_433 = tpu.memref_slice %arg8[%dma_start3A_419, %dma_start3A_431, %dma_start3A_432] : memref<2x256x64xf32, #tpu.memory_space<vmem>> -> memref<1x256x64xf32, #tpu.memory_space<vmem>>
    %dma_start3A_434 = tpu.memref_squeeze %dma_start3A_433 : memref<1x256x64xf32, #tpu.memory_space<vmem>> -> memref<256x64xf32, #tpu.memory_space<vmem>>
    tpu.enqueue_dma source(%dma_start3A_434 : memref<256x64xf32, #tpu.memory_space<vmem>>) target(%dma_start3A_430 : memref<256x64xf32, #tpu.memory_space<hbm>>) target_semaphore(%dma_start3A_428 : memref<!tpu.dma_semaphore, #tpu.memory_space<semaphore_mem>>)
    %add3A_435 = arith.constant 1280 : i32
    %add3A_436 = arith.addi %mul3A_4, %add3A_435 : i32
    %dma_wait3A_437 = arith.constant 1 : i32
    %dma_wait3A_438 = arith.constant 1 : i32
    %dma_wait3A_439 = arith.constant 0 : i32
    %dma_wait3A_440 = arith.constant 0 : i32
    %dma_wait3A_441 = tpu.memref_slice %arg8[%dma_wait3A_437, %dma_wait3A_439, %dma_wait3A_440] : memref<2x256x64xf32, #tpu.memory_space<vmem>> -> memref<1x256x64xf32, #tpu.memory_space<vmem>>
    %dma_wait3A_442 = tpu.memref_squeeze %dma_wait3A_441 : memref<1x256x64xf32, #tpu.memory_space<vmem>> -> memref<256x64xf32, #tpu.memory_space<vmem>>
    %dma_wait3A_443 = arith.constant 0 : i32
    %dma_wait3A_444 = tpu.memref_slice %arg5[%add3A_436, %dma_wait3A_443] : memref<327684x64xf32, #tpu.memory_space<hbm>> -> memref<256x64xf32, #tpu.memory_space<hbm>>
    %dma_wait3A_445 = tpu.memref_slice %arg12[%dma_wait3A_438] : memref<2x!tpu.dma_semaphore, #tpu.memory_space<semaphore_mem>> -> memref<1x!tpu.dma_semaphore, #tpu.memory_space<semaphore_mem>>
    %dma_wait3A_446 = tpu.memref_squeeze %dma_wait3A_445 : memref<1x!tpu.dma_semaphore, #tpu.memory_space<semaphore_mem>> -> memref<!tpu.dma_semaphore, #tpu.memory_space<semaphore_mem>>
    %dma_wait3A_447 = arith.constant 0 : i32
    %dma_wait3A_448 = tpu.memref_slice %arg5[%add3A_436, %dma_wait3A_447] : memref<327684x64xf32, #tpu.memory_space<hbm>> -> memref<256x64xf32, #tpu.memory_space<hbm>>
    %dma_wait3A_449 = arith.constant 0 : i32
    %dma_wait3A_450 = arith.constant 0 : i32
    %dma_wait3A_451 = tpu.memref_slice %arg8[%dma_wait3A_437, %dma_wait3A_449, %dma_wait3A_450] : memref<2x256x64xf32, #tpu.memory_space<vmem>> -> memref<1x256x64xf32, #tpu.memory_space<vmem>>
    %dma_wait3A_452 = tpu.memref_squeeze %dma_wait3A_451 : memref<1x256x64xf32, #tpu.memory_space<vmem>> -> memref<256x64xf32, #tpu.memory_space<vmem>>
    tpu.wait_dma2 semaphore(%dma_wait3A_446 : memref<!tpu.dma_semaphore, #tpu.memory_space<semaphore_mem>>) src(%dma_wait3A_452 : memref<256x64xf32, #tpu.memory_space<vmem>>) dst(%dma_wait3A_448 : memref<256x64xf32, #tpu.memory_space<hbm>>)
    %add3A_453 = arith.constant 1792 : i32
    %add3A_454 = arith.addi %mul3A_4, %add3A_453 : i32
    %dma_start3A_455 = arith.constant 1 : i32
    %dma_start3A_456 = arith.constant 1 : i32
    %dma_start3A_457 = arith.constant 0 : i32
    %dma_start3A_458 = arith.constant 0 : i32
    %dma_start3A_459 = tpu.memref_slice %arg8[%dma_start3A_455, %dma_start3A_457, %dma_start3A_458] : memref<2x256x64xf32, #tpu.memory_space<vmem>> -> memref<1x256x64xf32, #tpu.memory_space<vmem>>
    %dma_start3A_460 = tpu.memref_squeeze %dma_start3A_459 : memref<1x256x64xf32, #tpu.memory_space<vmem>> -> memref<256x64xf32, #tpu.memory_space<vmem>>
    %dma_start3A_461 = arith.constant 0 : i32
    %dma_start3A_462 = tpu.memref_slice %arg2[%add3A_454, %dma_start3A_461] : memref<81924x64xf32, #tpu.memory_space<hbm>> -> memref<256x64xf32, #tpu.memory_space<hbm>>
    %dma_start3A_463 = tpu.memref_slice %arg11[%dma_start3A_456] : memref<2x!tpu.dma_semaphore, #tpu.memory_space<semaphore_mem>> -> memref<1x!tpu.dma_semaphore, #tpu.memory_space<semaphore_mem>>
    %dma_start3A_464 = tpu.memref_squeeze %dma_start3A_463 : memref<1x!tpu.dma_semaphore, #tpu.memory_space<semaphore_mem>> -> memref<!tpu.dma_semaphore, #tpu.memory_space<semaphore_mem>>
    %dma_start3A_465 = arith.constant 0 : i32
    %dma_start3A_466 = arith.constant 0 : i32
    %dma_start3A_467 = tpu.memref_slice %arg8[%dma_start3A_455, %dma_start3A_465, %dma_start3A_466] : memref<2x256x64xf32, #tpu.memory_space<vmem>> -> memref<1x256x64xf32, #tpu.memory_space<vmem>>
    %dma_start3A_468 = tpu.memref_squeeze %dma_start3A_467 : memref<1x256x64xf32, #tpu.memory_space<vmem>> -> memref<256x64xf32, #tpu.memory_space<vmem>>
    %dma_start3A_469 = arith.constant 0 : i32
    %dma_start3A_470 = tpu.memref_slice %arg2[%add3A_454, %dma_start3A_469] : memref<81924x64xf32, #tpu.memory_space<hbm>> -> memref<256x64xf32, #tpu.memory_space<hbm>>
    tpu.enqueue_dma source(%dma_start3A_470 : memref<256x64xf32, #tpu.memory_space<hbm>>) target(%dma_start3A_468 : memref<256x64xf32, #tpu.memory_space<vmem>>) target_semaphore(%dma_start3A_464 : memref<!tpu.dma_semaphore, #tpu.memory_space<semaphore_mem>>)
    %add3A_471 = arith.constant 1536 : i32
    %add3A_472 = arith.addi %mul3A_4, %add3A_471 : i32
    %dma_wait3A_473 = arith.constant 0 : i32
    %dma_wait3A_474 = arith.constant 0 : i32
    %dma_wait3A_475 = arith.constant 0 : i32
    %dma_wait3A_476 = arith.constant 0 : i32
    %dma_wait3A_477 = tpu.memref_slice %arg8[%dma_wait3A_473, %dma_wait3A_475, %dma_wait3A_476] : memref<2x256x64xf32, #tpu.memory_space<vmem>> -> memref<1x256x64xf32, #tpu.memory_space<vmem>>
    %dma_wait3A_478 = tpu.memref_squeeze %dma_wait3A_477 : memref<1x256x64xf32, #tpu.memory_space<vmem>> -> memref<256x64xf32, #tpu.memory_space<vmem>>
    %dma_wait3A_479 = arith.constant 0 : i32
    %dma_wait3A_480 = tpu.memref_slice %arg2[%add3A_472, %dma_wait3A_479] : memref<81924x64xf32, #tpu.memory_space<hbm>> -> memref<256x64xf32, #tpu.memory_space<hbm>>
    %dma_wait3A_481 = tpu.memref_slice %arg11[%dma_wait3A_474] : memref<2x!tpu.dma_semaphore, #tpu.memory_space<semaphore_mem>> -> memref<1x!tpu.dma_semaphore, #tpu.memory_space<semaphore_mem>>
    %dma_wait3A_482 = tpu.memref_squeeze %dma_wait3A_481 : memref<1x!tpu.dma_semaphore, #tpu.memory_space<semaphore_mem>> -> memref<!tpu.dma_semaphore, #tpu.memory_space<semaphore_mem>>
    %dma_wait3A_483 = arith.constant 0 : i32
    %dma_wait3A_484 = arith.constant 0 : i32
    %dma_wait3A_485 = tpu.memref_slice %arg8[%dma_wait3A_473, %dma_wait3A_483, %dma_wait3A_484] : memref<2x256x64xf32, #tpu.memory_space<vmem>> -> memref<1x256x64xf32, #tpu.memory_space<vmem>>
    %dma_wait3A_486 = tpu.memref_squeeze %dma_wait3A_485 : memref<1x256x64xf32, #tpu.memory_space<vmem>> -> memref<256x64xf32, #tpu.memory_space<vmem>>
    %dma_wait3A_487 = arith.constant 0 : i32
    %dma_wait3A_488 = tpu.memref_slice %arg2[%add3A_472, %dma_wait3A_487] : memref<81924x64xf32, #tpu.memory_space<hbm>> -> memref<256x64xf32, #tpu.memory_space<hbm>>
    tpu.wait_dma2 semaphore(%dma_wait3A_482 : memref<!tpu.dma_semaphore, #tpu.memory_space<semaphore_mem>>) src(%dma_wait3A_488 : memref<256x64xf32, #tpu.memory_space<hbm>>) dst(%dma_wait3A_486 : memref<256x64xf32, #tpu.memory_space<vmem>>)
    %add3A_489 = arith.constant 1536 : i32
    %add3A_490 = arith.addi %mul3A_4, %add3A_489 : i32
    %dma_start3A_491 = arith.constant 0 : i32
    %dma_start3A_492 = arith.constant 0 : i32
    %dma_start3A_493 = arith.constant 0 : i32
    %dma_start3A_494 = arith.constant 0 : i32
    %dma_start3A_495 = tpu.memref_slice %arg8[%dma_start3A_491, %dma_start3A_493, %dma_start3A_494] : memref<2x256x64xf32, #tpu.memory_space<vmem>> -> memref<1x256x64xf32, #tpu.memory_space<vmem>>
    %dma_start3A_496 = tpu.memref_squeeze %dma_start3A_495 : memref<1x256x64xf32, #tpu.memory_space<vmem>> -> memref<256x64xf32, #tpu.memory_space<vmem>>
    %dma_start3A_497 = arith.constant 0 : i32
    %dma_start3A_498 = tpu.memref_slice %arg5[%add3A_490, %dma_start3A_497] : memref<327684x64xf32, #tpu.memory_space<hbm>> -> memref<256x64xf32, #tpu.memory_space<hbm>>
    %dma_start3A_499 = tpu.memref_slice %arg12[%dma_start3A_492] : memref<2x!tpu.dma_semaphore, #tpu.memory_space<semaphore_mem>> -> memref<1x!tpu.dma_semaphore, #tpu.memory_space<semaphore_mem>>
    %dma_start3A_500 = tpu.memref_squeeze %dma_start3A_499 : memref<1x!tpu.dma_semaphore, #tpu.memory_space<semaphore_mem>> -> memref<!tpu.dma_semaphore, #tpu.memory_space<semaphore_mem>>
    %dma_start3A_501 = arith.constant 0 : i32
    %dma_start3A_502 = tpu.memref_slice %arg5[%add3A_490, %dma_start3A_501] : memref<327684x64xf32, #tpu.memory_space<hbm>> -> memref<256x64xf32, #tpu.memory_space<hbm>>
    %dma_start3A_503 = arith.constant 0 : i32
    %dma_start3A_504 = arith.constant 0 : i32
    %dma_start3A_505 = tpu.memref_slice %arg8[%dma_start3A_491, %dma_start3A_503, %dma_start3A_504] : memref<2x256x64xf32, #tpu.memory_space<vmem>> -> memref<1x256x64xf32, #tpu.memory_space<vmem>>
    %dma_start3A_506 = tpu.memref_squeeze %dma_start3A_505 : memref<1x256x64xf32, #tpu.memory_space<vmem>> -> memref<256x64xf32, #tpu.memory_space<vmem>>
    tpu.enqueue_dma source(%dma_start3A_506 : memref<256x64xf32, #tpu.memory_space<vmem>>) target(%dma_start3A_502 : memref<256x64xf32, #tpu.memory_space<hbm>>) target_semaphore(%dma_start3A_500 : memref<!tpu.dma_semaphore, #tpu.memory_space<semaphore_mem>>)
    %add3A_507 = arith.constant 1536 : i32
    %add3A_508 = arith.addi %mul3A_4, %add3A_507 : i32
    %dma_wait3A_509 = arith.constant 0 : i32
    %dma_wait3A_510 = arith.constant 0 : i32
    %dma_wait3A_511 = arith.constant 0 : i32
    %dma_wait3A_512 = arith.constant 0 : i32
    %dma_wait3A_513 = tpu.memref_slice %arg8[%dma_wait3A_509, %dma_wait3A_511, %dma_wait3A_512] : memref<2x256x64xf32, #tpu.memory_space<vmem>> -> memref<1x256x64xf32, #tpu.memory_space<vmem>>
    %dma_wait3A_514 = tpu.memref_squeeze %dma_wait3A_513 : memref<1x256x64xf32, #tpu.memory_space<vmem>> -> memref<256x64xf32, #tpu.memory_space<vmem>>
    %dma_wait3A_515 = arith.constant 0 : i32
    %dma_wait3A_516 = tpu.memref_slice %arg5[%add3A_508, %dma_wait3A_515] : memref<327684x64xf32, #tpu.memory_space<hbm>> -> memref<256x64xf32, #tpu.memory_space<hbm>>
    %dma_wait3A_517 = tpu.memref_slice %arg12[%dma_wait3A_510] : memref<2x!tpu.dma_semaphore, #tpu.memory_space<semaphore_mem>> -> memref<1x!tpu.dma_semaphore, #tpu.memory_space<semaphore_mem>>
    %dma_wait3A_518 = tpu.memref_squeeze %dma_wait3A_517 : memref<1x!tpu.dma_semaphore, #tpu.memory_space<semaphore_mem>> -> memref<!tpu.dma_semaphore, #tpu.memory_space<semaphore_mem>>
    %dma_wait3A_519 = arith.constant 0 : i32
    %dma_wait3A_520 = tpu.memref_slice %arg5[%add3A_508, %dma_wait3A_519] : memref<327684x64xf32, #tpu.memory_space<hbm>> -> memref<256x64xf32, #tpu.memory_space<hbm>>
    %dma_wait3A_521 = arith.constant 0 : i32
    %dma_wait3A_522 = arith.constant 0 : i32
    %dma_wait3A_523 = tpu.memref_slice %arg8[%dma_wait3A_509, %dma_wait3A_521, %dma_wait3A_522] : memref<2x256x64xf32, #tpu.memory_space<vmem>> -> memref<1x256x64xf32, #tpu.memory_space<vmem>>
    %dma_wait3A_524 = tpu.memref_squeeze %dma_wait3A_523 : memref<1x256x64xf32, #tpu.memory_space<vmem>> -> memref<256x64xf32, #tpu.memory_space<vmem>>
    tpu.wait_dma2 semaphore(%dma_wait3A_518 : memref<!tpu.dma_semaphore, #tpu.memory_space<semaphore_mem>>) src(%dma_wait3A_524 : memref<256x64xf32, #tpu.memory_space<vmem>>) dst(%dma_wait3A_520 : memref<256x64xf32, #tpu.memory_space<hbm>>)
    %add3A_525 = arith.constant 2048 : i32
    %add3A_526 = arith.addi %mul3A_4, %add3A_525 : i32
    %dma_start3A_527 = arith.constant 0 : i32
    %dma_start3A_528 = arith.constant 0 : i32
    %dma_start3A_529 = arith.constant 0 : i32
    %dma_start3A_530 = arith.constant 0 : i32
    %dma_start3A_531 = tpu.memref_slice %arg8[%dma_start3A_527, %dma_start3A_529, %dma_start3A_530] : memref<2x256x64xf32, #tpu.memory_space<vmem>> -> memref<1x256x64xf32, #tpu.memory_space<vmem>>
    %dma_start3A_532 = tpu.memref_squeeze %dma_start3A_531 : memref<1x256x64xf32, #tpu.memory_space<vmem>> -> memref<256x64xf32, #tpu.memory_space<vmem>>
    %dma_start3A_533 = arith.constant 0 : i32
    %dma_start3A_534 = tpu.memref_slice %arg2[%add3A_526, %dma_start3A_533] : memref<81924x64xf32, #tpu.memory_space<hbm>> -> memref<256x64xf32, #tpu.memory_space<hbm>>
    %dma_start3A_535 = tpu.memref_slice %arg11[%dma_start3A_528] : memref<2x!tpu.dma_semaphore, #tpu.memory_space<semaphore_mem>> -> memref<1x!tpu.dma_semaphore, #tpu.memory_space<semaphore_mem>>
    %dma_start3A_536 = tpu.memref_squeeze %dma_start3A_535 : memref<1x!tpu.dma_semaphore, #tpu.memory_space<semaphore_mem>> -> memref<!tpu.dma_semaphore, #tpu.memory_space<semaphore_mem>>
    %dma_start3A_537 = arith.constant 0 : i32
    %dma_start3A_538 = arith.constant 0 : i32
    %dma_start3A_539 = tpu.memref_slice %arg8[%dma_start3A_527, %dma_start3A_537, %dma_start3A_538] : memref<2x256x64xf32, #tpu.memory_space<vmem>> -> memref<1x256x64xf32, #tpu.memory_space<vmem>>
    %dma_start3A_540 = tpu.memref_squeeze %dma_start3A_539 : memref<1x256x64xf32, #tpu.memory_space<vmem>> -> memref<256x64xf32, #tpu.memory_space<vmem>>
    %dma_start3A_541 = arith.constant 0 : i32
    %dma_start3A_542 = tpu.memref_slice %arg2[%add3A_526, %dma_start3A_541] : memref<81924x64xf32, #tpu.memory_space<hbm>> -> memref<256x64xf32, #tpu.memory_space<hbm>>
    tpu.enqueue_dma source(%dma_start3A_542 : memref<256x64xf32, #tpu.memory_space<hbm>>) target(%dma_start3A_540 : memref<256x64xf32, #tpu.memory_space<vmem>>) target_semaphore(%dma_start3A_536 : memref<!tpu.dma_semaphore, #tpu.memory_space<semaphore_mem>>)
    %add3A_543 = arith.constant 1792 : i32
    %add3A_544 = arith.addi %mul3A_4, %add3A_543 : i32
    %dma_wait3A_545 = arith.constant 1 : i32
    %dma_wait3A_546 = arith.constant 1 : i32
    %dma_wait3A_547 = arith.constant 0 : i32
    %dma_wait3A_548 = arith.constant 0 : i32
    %dma_wait3A_549 = tpu.memref_slice %arg8[%dma_wait3A_545, %dma_wait3A_547, %dma_wait3A_548] : memref<2x256x64xf32, #tpu.memory_space<vmem>> -> memref<1x256x64xf32, #tpu.memory_space<vmem>>
    %dma_wait3A_550 = tpu.memref_squeeze %dma_wait3A_549 : memref<1x256x64xf32, #tpu.memory_space<vmem>> -> memref<256x64xf32, #tpu.memory_space<vmem>>
    %dma_wait3A_551 = arith.constant 0 : i32
    %dma_wait3A_552 = tpu.memref_slice %arg2[%add3A_544, %dma_wait3A_551] : memref<81924x64xf32, #tpu.memory_space<hbm>> -> memref<256x64xf32, #tpu.memory_space<hbm>>
    %dma_wait3A_553 = tpu.memref_slice %arg11[%dma_wait3A_546] : memref<2x!tpu.dma_semaphore, #tpu.memory_space<semaphore_mem>> -> memref<1x!tpu.dma_semaphore, #tpu.memory_space<semaphore_mem>>
    %dma_wait3A_554 = tpu.memref_squeeze %dma_wait3A_553 : memref<1x!tpu.dma_semaphore, #tpu.memory_space<semaphore_mem>> -> memref<!tpu.dma_semaphore, #tpu.memory_space<semaphore_mem>>
    %dma_wait3A_555 = arith.constant 0 : i32
    %dma_wait3A_556 = arith.constant 0 : i32
    %dma_wait3A_557 = tpu.memref_slice %arg8[%dma_wait3A_545, %dma_wait3A_555, %dma_wait3A_556] : memref<2x256x64xf32, #tpu.memory_space<vmem>> -> memref<1x256x64xf32, #tpu.memory_space<vmem>>
    %dma_wait3A_558 = tpu.memref_squeeze %dma_wait3A_557 : memref<1x256x64xf32, #tpu.memory_space<vmem>> -> memref<256x64xf32, #tpu.memory_space<vmem>>
    %dma_wait3A_559 = arith.constant 0 : i32
    %dma_wait3A_560 = tpu.memref_slice %arg2[%add3A_544, %dma_wait3A_559] : memref<81924x64xf32, #tpu.memory_space<hbm>> -> memref<256x64xf32, #tpu.memory_space<hbm>>
    tpu.wait_dma2 semaphore(%dma_wait3A_554 : memref<!tpu.dma_semaphore, #tpu.memory_space<semaphore_mem>>) src(%dma_wait3A_560 : memref<256x64xf32, #tpu.memory_space<hbm>>) dst(%dma_wait3A_558 : memref<256x64xf32, #tpu.memory_space<vmem>>)
    %add3A_561 = arith.constant 1792 : i32
    %add3A_562 = arith.addi %mul3A_4, %add3A_561 : i32
    %dma_start3A_563 = arith.constant 1 : i32
    %dma_start3A_564 = arith.constant 1 : i32
    %dma_start3A_565 = arith.constant 0 : i32
    %dma_start3A_566 = arith.constant 0 : i32
    %dma_start3A_567 = tpu.memref_slice %arg8[%dma_start3A_563, %dma_start3A_565, %dma_start3A_566] : memref<2x256x64xf32, #tpu.memory_space<vmem>> -> memref<1x256x64xf32, #tpu.memory_space<vmem>>
    %dma_start3A_568 = tpu.memref_squeeze %dma_start3A_567 : memref<1x256x64xf32, #tpu.memory_space<vmem>> -> memref<256x64xf32, #tpu.memory_space<vmem>>
    %dma_start3A_569 = arith.constant 0 : i32
    %dma_start3A_570 = tpu.memref_slice %arg5[%add3A_562, %dma_start3A_569] : memref<327684x64xf32, #tpu.memory_space<hbm>> -> memref<256x64xf32, #tpu.memory_space<hbm>>
    %dma_start3A_571 = tpu.memref_slice %arg12[%dma_start3A_564] : memref<2x!tpu.dma_semaphore, #tpu.memory_space<semaphore_mem>> -> memref<1x!tpu.dma_semaphore, #tpu.memory_space<semaphore_mem>>
    %dma_start3A_572 = tpu.memref_squeeze %dma_start3A_571 : memref<1x!tpu.dma_semaphore, #tpu.memory_space<semaphore_mem>> -> memref<!tpu.dma_semaphore, #tpu.memory_space<semaphore_mem>>
    %dma_start3A_573 = arith.constant 0 : i32
    %dma_start3A_574 = tpu.memref_slice %arg5[%add3A_562, %dma_start3A_573] : memref<327684x64xf32, #tpu.memory_space<hbm>> -> memref<256x64xf32, #tpu.memory_space<hbm>>
    %dma_start3A_575 = arith.constant 0 : i32
    %dma_start3A_576 = arith.constant 0 : i32
    %dma_start3A_577 = tpu.memref_slice %arg8[%dma_start3A_563, %dma_start3A_575, %dma_start3A_576] : memref<2x256x64xf32, #tpu.memory_space<vmem>> -> memref<1x256x64xf32, #tpu.memory_space<vmem>>
    %dma_start3A_578 = tpu.memref_squeeze %dma_start3A_577 : memref<1x256x64xf32, #tpu.memory_space<vmem>> -> memref<256x64xf32, #tpu.memory_space<vmem>>
    tpu.enqueue_dma source(%dma_start3A_578 : memref<256x64xf32, #tpu.memory_space<vmem>>) target(%dma_start3A_574 : memref<256x64xf32, #tpu.memory_space<hbm>>) target_semaphore(%dma_start3A_572 : memref<!tpu.dma_semaphore, #tpu.memory_space<semaphore_mem>>)
    %add3A_579 = arith.constant 1792 : i32
    %add3A_580 = arith.addi %mul3A_4, %add3A_579 : i32
    %dma_wait3A_581 = arith.constant 1 : i32
    %dma_wait3A_582 = arith.constant 1 : i32
    %dma_wait3A_583 = arith.constant 0 : i32
    %dma_wait3A_584 = arith.constant 0 : i32
    %dma_wait3A_585 = tpu.memref_slice %arg8[%dma_wait3A_581, %dma_wait3A_583, %dma_wait3A_584] : memref<2x256x64xf32, #tpu.memory_space<vmem>> -> memref<1x256x64xf32, #tpu.memory_space<vmem>>
    %dma_wait3A_586 = tpu.memref_squeeze %dma_wait3A_585 : memref<1x256x64xf32, #tpu.memory_space<vmem>> -> memref<256x64xf32, #tpu.memory_space<vmem>>
    %dma_wait3A_587 = arith.constant 0 : i32
    %dma_wait3A_588 = tpu.memref_slice %arg5[%add3A_580, %dma_wait3A_587] : memref<327684x64xf32, #tpu.memory_space<hbm>> -> memref<256x64xf32, #tpu.memory_space<hbm>>
    %dma_wait3A_589 = tpu.memref_slice %arg12[%dma_wait3A_582] : memref<2x!tpu.dma_semaphore, #tpu.memory_space<semaphore_mem>> -> memref<1x!tpu.dma_semaphore, #tpu.memory_space<semaphore_mem>>
    %dma_wait3A_590 = tpu.memref_squeeze %dma_wait3A_589 : memref<1x!tpu.dma_semaphore, #tpu.memory_space<semaphore_mem>> -> memref<!tpu.dma_semaphore, #tpu.memory_space<semaphore_mem>>
    %dma_wait3A_591 = arith.constant 0 : i32
    %dma_wait3A_592 = tpu.memref_slice %arg5[%add3A_580, %dma_wait3A_591] : memref<327684x64xf32, #tpu.memory_space<hbm>> -> memref<256x64xf32, #tpu.memory_space<hbm>>
    %dma_wait3A_593 = arith.constant 0 : i32
    %dma_wait3A_594 = arith.constant 0 : i32
    %dma_wait3A_595 = tpu.memref_slice %arg8[%dma_wait3A_581, %dma_wait3A_593, %dma_wait3A_594] : memref<2x256x64xf32, #tpu.memory_space<vmem>> -> memref<1x256x64xf32, #tpu.memory_space<vmem>>
    %dma_wait3A_596 = tpu.memref_squeeze %dma_wait3A_595 : memref<1x256x64xf32, #tpu.memory_space<vmem>> -> memref<256x64xf32, #tpu.memory_space<vmem>>
    tpu.wait_dma2 semaphore(%dma_wait3A_590 : memref<!tpu.dma_semaphore, #tpu.memory_space<semaphore_mem>>) src(%dma_wait3A_596 : memref<256x64xf32, #tpu.memory_space<vmem>>) dst(%dma_wait3A_592 : memref<256x64xf32, #tpu.memory_space<hbm>>)
    %add3A_597 = arith.constant 2304 : i32
    %add3A_598 = arith.addi %mul3A_4, %add3A_597 : i32
    %dma_start3A_599 = arith.constant 1 : i32
    %dma_start3A_600 = arith.constant 1 : i32
    %dma_start3A_601 = arith.constant 0 : i32
    %dma_start3A_602 = arith.constant 0 : i32
    %dma_start3A_603 = tpu.memref_slice %arg8[%dma_start3A_599, %dma_start3A_601, %dma_start3A_602] : memref<2x256x64xf32, #tpu.memory_space<vmem>> -> memref<1x256x64xf32, #tpu.memory_space<vmem>>
    %dma_start3A_604 = tpu.memref_squeeze %dma_start3A_603 : memref<1x256x64xf32, #tpu.memory_space<vmem>> -> memref<256x64xf32, #tpu.memory_space<vmem>>
    %dma_start3A_605 = arith.constant 0 : i32
    %dma_start3A_606 = tpu.memref_slice %arg2[%add3A_598, %dma_start3A_605] : memref<81924x64xf32, #tpu.memory_space<hbm>> -> memref<256x64xf32, #tpu.memory_space<hbm>>
    %dma_start3A_607 = tpu.memref_slice %arg11[%dma_start3A_600] : memref<2x!tpu.dma_semaphore, #tpu.memory_space<semaphore_mem>> -> memref<1x!tpu.dma_semaphore, #tpu.memory_space<semaphore_mem>>
    %dma_start3A_608 = tpu.memref_squeeze %dma_start3A_607 : memref<1x!tpu.dma_semaphore, #tpu.memory_space<semaphore_mem>> -> memref<!tpu.dma_semaphore, #tpu.memory_space<semaphore_mem>>
    %dma_start3A_609 = arith.constant 0 : i32
    %dma_start3A_610 = arith.constant 0 : i32
    %dma_start3A_611 = tpu.memref_slice %arg8[%dma_start3A_599, %dma_start3A_609, %dma_start3A_610] : memref<2x256x64xf32, #tpu.memory_space<vmem>> -> memref<1x256x64xf32, #tpu.memory_space<vmem>>
    %dma_start3A_612 = tpu.memref_squeeze %dma_start3A_611 : memref<1x256x64xf32, #tpu.memory_space<vmem>> -> memref<256x64xf32, #tpu.memory_space<vmem>>
    %dma_start3A_613 = arith.constant 0 : i32
    %dma_start3A_614 = tpu.memref_slice %arg2[%add3A_598, %dma_start3A_613] : memref<81924x64xf32, #tpu.memory_space<hbm>> -> memref<256x64xf32, #tpu.memory_space<hbm>>
    tpu.enqueue_dma source(%dma_start3A_614 : memref<256x64xf32, #tpu.memory_space<hbm>>) target(%dma_start3A_612 : memref<256x64xf32, #tpu.memory_space<vmem>>) target_semaphore(%dma_start3A_608 : memref<!tpu.dma_semaphore, #tpu.memory_space<semaphore_mem>>)
    %add3A_615 = arith.constant 2048 : i32
    %add3A_616 = arith.addi %mul3A_4, %add3A_615 : i32
    %dma_wait3A_617 = arith.constant 0 : i32
    %dma_wait3A_618 = arith.constant 0 : i32
    %dma_wait3A_619 = arith.constant 0 : i32
    %dma_wait3A_620 = arith.constant 0 : i32
    %dma_wait3A_621 = tpu.memref_slice %arg8[%dma_wait3A_617, %dma_wait3A_619, %dma_wait3A_620] : memref<2x256x64xf32, #tpu.memory_space<vmem>> -> memref<1x256x64xf32, #tpu.memory_space<vmem>>
    %dma_wait3A_622 = tpu.memref_squeeze %dma_wait3A_621 : memref<1x256x64xf32, #tpu.memory_space<vmem>> -> memref<256x64xf32, #tpu.memory_space<vmem>>
    %dma_wait3A_623 = arith.constant 0 : i32
    %dma_wait3A_624 = tpu.memref_slice %arg2[%add3A_616, %dma_wait3A_623] : memref<81924x64xf32, #tpu.memory_space<hbm>> -> memref<256x64xf32, #tpu.memory_space<hbm>>
    %dma_wait3A_625 = tpu.memref_slice %arg11[%dma_wait3A_618] : memref<2x!tpu.dma_semaphore, #tpu.memory_space<semaphore_mem>> -> memref<1x!tpu.dma_semaphore, #tpu.memory_space<semaphore_mem>>
    %dma_wait3A_626 = tpu.memref_squeeze %dma_wait3A_625 : memref<1x!tpu.dma_semaphore, #tpu.memory_space<semaphore_mem>> -> memref<!tpu.dma_semaphore, #tpu.memory_space<semaphore_mem>>
    %dma_wait3A_627 = arith.constant 0 : i32
    %dma_wait3A_628 = arith.constant 0 : i32
    %dma_wait3A_629 = tpu.memref_slice %arg8[%dma_wait3A_617, %dma_wait3A_627, %dma_wait3A_628] : memref<2x256x64xf32, #tpu.memory_space<vmem>> -> memref<1x256x64xf32, #tpu.memory_space<vmem>>
    %dma_wait3A_630 = tpu.memref_squeeze %dma_wait3A_629 : memref<1x256x64xf32, #tpu.memory_space<vmem>> -> memref<256x64xf32, #tpu.memory_space<vmem>>
    %dma_wait3A_631 = arith.constant 0 : i32
    %dma_wait3A_632 = tpu.memref_slice %arg2[%add3A_616, %dma_wait3A_631] : memref<81924x64xf32, #tpu.memory_space<hbm>> -> memref<256x64xf32, #tpu.memory_space<hbm>>
    tpu.wait_dma2 semaphore(%dma_wait3A_626 : memref<!tpu.dma_semaphore, #tpu.memory_space<semaphore_mem>>) src(%dma_wait3A_632 : memref<256x64xf32, #tpu.memory_space<hbm>>) dst(%dma_wait3A_630 : memref<256x64xf32, #tpu.memory_space<vmem>>)
    %add3A_633 = arith.constant 2048 : i32
    %add3A_634 = arith.addi %mul3A_4, %add3A_633 : i32
    %dma_start3A_635 = arith.constant 0 : i32
    %dma_start3A_636 = arith.constant 0 : i32
    %dma_start3A_637 = arith.constant 0 : i32
    %dma_start3A_638 = arith.constant 0 : i32
    %dma_start3A_639 = tpu.memref_slice %arg8[%dma_start3A_635, %dma_start3A_637, %dma_start3A_638] : memref<2x256x64xf32, #tpu.memory_space<vmem>> -> memref<1x256x64xf32, #tpu.memory_space<vmem>>
    %dma_start3A_640 = tpu.memref_squeeze %dma_start3A_639 : memref<1x256x64xf32, #tpu.memory_space<vmem>> -> memref<256x64xf32, #tpu.memory_space<vmem>>
    %dma_start3A_641 = arith.constant 0 : i32
    %dma_start3A_642 = tpu.memref_slice %arg5[%add3A_634, %dma_start3A_641] : memref<327684x64xf32, #tpu.memory_space<hbm>> -> memref<256x64xf32, #tpu.memory_space<hbm>>
    %dma_start3A_643 = tpu.memref_slice %arg12[%dma_start3A_636] : memref<2x!tpu.dma_semaphore, #tpu.memory_space<semaphore_mem>> -> memref<1x!tpu.dma_semaphore, #tpu.memory_space<semaphore_mem>>
    %dma_start3A_644 = tpu.memref_squeeze %dma_start3A_643 : memref<1x!tpu.dma_semaphore, #tpu.memory_space<semaphore_mem>> -> memref<!tpu.dma_semaphore, #tpu.memory_space<semaphore_mem>>
    %dma_start3A_645 = arith.constant 0 : i32
    %dma_start3A_646 = tpu.memref_slice %arg5[%add3A_634, %dma_start3A_645] : memref<327684x64xf32, #tpu.memory_space<hbm>> -> memref<256x64xf32, #tpu.memory_space<hbm>>
    %dma_start3A_647 = arith.constant 0 : i32
    %dma_start3A_648 = arith.constant 0 : i32
    %dma_start3A_649 = tpu.memref_slice %arg8[%dma_start3A_635, %dma_start3A_647, %dma_start3A_648] : memref<2x256x64xf32, #tpu.memory_space<vmem>> -> memref<1x256x64xf32, #tpu.memory_space<vmem>>
    %dma_start3A_650 = tpu.memref_squeeze %dma_start3A_649 : memref<1x256x64xf32, #tpu.memory_space<vmem>> -> memref<256x64xf32, #tpu.memory_space<vmem>>
    tpu.enqueue_dma source(%dma_start3A_650 : memref<256x64xf32, #tpu.memory_space<vmem>>) target(%dma_start3A_646 : memref<256x64xf32, #tpu.memory_space<hbm>>) target_semaphore(%dma_start3A_644 : memref<!tpu.dma_semaphore, #tpu.memory_space<semaphore_mem>>)
    %add3A_651 = arith.constant 2304 : i32
    %add3A_652 = arith.addi %mul3A_4, %add3A_651 : i32
    %dma_wait3A_653 = arith.constant 1 : i32
    %dma_wait3A_654 = arith.constant 1 : i32
    %dma_wait3A_655 = arith.constant 0 : i32
    %dma_wait3A_656 = arith.constant 0 : i32
    %dma_wait3A_657 = tpu.memref_slice %arg8[%dma_wait3A_653, %dma_wait3A_655, %dma_wait3A_656] : memref<2x256x64xf32, #tpu.memory_space<vmem>> -> memref<1x256x64xf32, #tpu.memory_space<vmem>>
    %dma_wait3A_658 = tpu.memref_squeeze %dma_wait3A_657 : memref<1x256x64xf32, #tpu.memory_space<vmem>> -> memref<256x64xf32, #tpu.memory_space<vmem>>
    %dma_wait3A_659 = arith.constant 0 : i32
    %dma_wait3A_660 = tpu.memref_slice %arg2[%add3A_652, %dma_wait3A_659] : memref<81924x64xf32, #tpu.memory_space<hbm>> -> memref<256x64xf32, #tpu.memory_space<hbm>>
    %dma_wait3A_661 = tpu.memref_slice %arg11[%dma_wait3A_654] : memref<2x!tpu.dma_semaphore, #tpu.memory_space<semaphore_mem>> -> memref<1x!tpu.dma_semaphore, #tpu.memory_space<semaphore_mem>>
    %dma_wait3A_662 = tpu.memref_squeeze %dma_wait3A_661 : memref<1x!tpu.dma_semaphore, #tpu.memory_space<semaphore_mem>> -> memref<!tpu.dma_semaphore, #tpu.memory_space<semaphore_mem>>
    %dma_wait3A_663 = arith.constant 0 : i32
    %dma_wait3A_664 = arith.constant 0 : i32
    %dma_wait3A_665 = tpu.memref_slice %arg8[%dma_wait3A_653, %dma_wait3A_663, %dma_wait3A_664] : memref<2x256x64xf32, #tpu.memory_space<vmem>> -> memref<1x256x64xf32, #tpu.memory_space<vmem>>
    %dma_wait3A_666 = tpu.memref_squeeze %dma_wait3A_665 : memref<1x256x64xf32, #tpu.memory_space<vmem>> -> memref<256x64xf32, #tpu.memory_space<vmem>>
    %dma_wait3A_667 = arith.constant 0 : i32
    %dma_wait3A_668 = tpu.memref_slice %arg2[%add3A_652, %dma_wait3A_667] : memref<81924x64xf32, #tpu.memory_space<hbm>> -> memref<256x64xf32, #tpu.memory_space<hbm>>
    tpu.wait_dma2 semaphore(%dma_wait3A_662 : memref<!tpu.dma_semaphore, #tpu.memory_space<semaphore_mem>>) src(%dma_wait3A_668 : memref<256x64xf32, #tpu.memory_space<hbm>>) dst(%dma_wait3A_666 : memref<256x64xf32, #tpu.memory_space<vmem>>)
    %add3A_669 = arith.constant 2304 : i32
    %add3A_670 = arith.addi %mul3A_4, %add3A_669 : i32
    %dma_start3A_671 = arith.constant 1 : i32
    %dma_start3A_672 = arith.constant 1 : i32
    %dma_start3A_673 = arith.constant 0 : i32
    %dma_start3A_674 = arith.constant 0 : i32
    %dma_start3A_675 = tpu.memref_slice %arg8[%dma_start3A_671, %dma_start3A_673, %dma_start3A_674] : memref<2x256x64xf32, #tpu.memory_space<vmem>> -> memref<1x256x64xf32, #tpu.memory_space<vmem>>
    %dma_start3A_676 = tpu.memref_squeeze %dma_start3A_675 : memref<1x256x64xf32, #tpu.memory_space<vmem>> -> memref<256x64xf32, #tpu.memory_space<vmem>>
    %dma_start3A_677 = arith.constant 0 : i32
    %dma_start3A_678 = tpu.memref_slice %arg5[%add3A_670, %dma_start3A_677] : memref<327684x64xf32, #tpu.memory_space<hbm>> -> memref<256x64xf32, #tpu.memory_space<hbm>>
    %dma_start3A_679 = tpu.memref_slice %arg12[%dma_start3A_672] : memref<2x!tpu.dma_semaphore, #tpu.memory_space<semaphore_mem>> -> memref<1x!tpu.dma_semaphore, #tpu.memory_space<semaphore_mem>>
    %dma_start3A_680 = tpu.memref_squeeze %dma_start3A_679 : memref<1x!tpu.dma_semaphore, #tpu.memory_space<semaphore_mem>> -> memref<!tpu.dma_semaphore, #tpu.memory_space<semaphore_mem>>
    %dma_start3A_681 = arith.constant 0 : i32
    %dma_start3A_682 = tpu.memref_slice %arg5[%add3A_670, %dma_start3A_681] : memref<327684x64xf32, #tpu.memory_space<hbm>> -> memref<256x64xf32, #tpu.memory_space<hbm>>
    %dma_start3A_683 = arith.constant 0 : i32
    %dma_start3A_684 = arith.constant 0 : i32
    %dma_start3A_685 = tpu.memref_slice %arg8[%dma_start3A_671, %dma_start3A_683, %dma_start3A_684] : memref<2x256x64xf32, #tpu.memory_space<vmem>> -> memref<1x256x64xf32, #tpu.memory_space<vmem>>
    %dma_start3A_686 = tpu.memref_squeeze %dma_start3A_685 : memref<1x256x64xf32, #tpu.memory_space<vmem>> -> memref<256x64xf32, #tpu.memory_space<vmem>>
    tpu.enqueue_dma source(%dma_start3A_686 : memref<256x64xf32, #tpu.memory_space<vmem>>) target(%dma_start3A_682 : memref<256x64xf32, #tpu.memory_space<hbm>>) target_semaphore(%dma_start3A_680 : memref<!tpu.dma_semaphore, #tpu.memory_space<semaphore_mem>>)
    %add3A_687 = arith.constant 2048 : i32
    %add3A_688 = arith.addi %mul3A_4, %add3A_687 : i32
    %dma_wait3A_689 = arith.constant 0 : i32
    %dma_wait3A_690 = arith.constant 0 : i32
    %dma_wait3A_691 = arith.constant 0 : i32
    %dma_wait3A_692 = arith.constant 0 : i32
    %dma_wait3A_693 = tpu.memref_slice %arg8[%dma_wait3A_689, %dma_wait3A_691, %dma_wait3A_692] : memref<2x256x64xf32, #tpu.memory_space<vmem>> -> memref<1x256x64xf32, #tpu.memory_space<vmem>>
    %dma_wait3A_694 = tpu.memref_squeeze %dma_wait3A_693 : memref<1x256x64xf32, #tpu.memory_space<vmem>> -> memref<256x64xf32, #tpu.memory_space<vmem>>
    %dma_wait3A_695 = arith.constant 0 : i32
    %dma_wait3A_696 = tpu.memref_slice %arg5[%add3A_688, %dma_wait3A_695] : memref<327684x64xf32, #tpu.memory_space<hbm>> -> memref<256x64xf32, #tpu.memory_space<hbm>>
    %dma_wait3A_697 = tpu.memref_slice %arg12[%dma_wait3A_690] : memref<2x!tpu.dma_semaphore, #tpu.memory_space<semaphore_mem>> -> memref<1x!tpu.dma_semaphore, #tpu.memory_space<semaphore_mem>>
    %dma_wait3A_698 = tpu.memref_squeeze %dma_wait3A_697 : memref<1x!tpu.dma_semaphore, #tpu.memory_space<semaphore_mem>> -> memref<!tpu.dma_semaphore, #tpu.memory_space<semaphore_mem>>
    %dma_wait3A_699 = arith.constant 0 : i32
    %dma_wait3A_700 = tpu.memref_slice %arg5[%add3A_688, %dma_wait3A_699] : memref<327684x64xf32, #tpu.memory_space<hbm>> -> memref<256x64xf32, #tpu.memory_space<hbm>>
    %dma_wait3A_701 = arith.constant 0 : i32
    %dma_wait3A_702 = arith.constant 0 : i32
    %dma_wait3A_703 = tpu.memref_slice %arg8[%dma_wait3A_689, %dma_wait3A_701, %dma_wait3A_702] : memref<2x256x64xf32, #tpu.memory_space<vmem>> -> memref<1x256x64xf32, #tpu.memory_space<vmem>>
    %dma_wait3A_704 = tpu.memref_squeeze %dma_wait3A_703 : memref<1x256x64xf32, #tpu.memory_space<vmem>> -> memref<256x64xf32, #tpu.memory_space<vmem>>
    tpu.wait_dma2 semaphore(%dma_wait3A_698 : memref<!tpu.dma_semaphore, #tpu.memory_space<semaphore_mem>>) src(%dma_wait3A_704 : memref<256x64xf32, #tpu.memory_space<vmem>>) dst(%dma_wait3A_700 : memref<256x64xf32, #tpu.memory_space<hbm>>)
    %add3A_705 = arith.constant 2304 : i32
    %add3A_706 = arith.addi %mul3A_4, %add3A_705 : i32
    %dma_wait3A_707 = arith.constant 1 : i32
    %dma_wait3A_708 = arith.constant 1 : i32
    %dma_wait3A_709 = arith.constant 0 : i32
    %dma_wait3A_710 = arith.constant 0 : i32
    %dma_wait3A_711 = tpu.memref_slice %arg8[%dma_wait3A_707, %dma_wait3A_709, %dma_wait3A_710] : memref<2x256x64xf32, #tpu.memory_space<vmem>> -> memref<1x256x64xf32, #tpu.memory_space<vmem>>
    %dma_wait3A_712 = tpu.memref_squeeze %dma_wait3A_711 : memref<1x256x64xf32, #tpu.memory_space<vmem>> -> memref<256x64xf32, #tpu.memory_space<vmem>>
    %dma_wait3A_713 = arith.constant 0 : i32
    %dma_wait3A_714 = tpu.memref_slice %arg5[%add3A_706, %dma_wait3A_713] : memref<327684x64xf32, #tpu.memory_space<hbm>> -> memref<256x64xf32, #tpu.memory_space<hbm>>
    %dma_wait3A_715 = tpu.memref_slice %arg12[%dma_wait3A_708] : memref<2x!tpu.dma_semaphore, #tpu.memory_space<semaphore_mem>> -> memref<1x!tpu.dma_semaphore, #tpu.memory_space<semaphore_mem>>
    %dma_wait3A_716 = tpu.memref_squeeze %dma_wait3A_715 : memref<1x!tpu.dma_semaphore, #tpu.memory_space<semaphore_mem>> -> memref<!tpu.dma_semaphore, #tpu.memory_space<semaphore_mem>>
    %dma_wait3A_717 = arith.constant 0 : i32
    %dma_wait3A_718 = tpu.memref_slice %arg5[%add3A_706, %dma_wait3A_717] : memref<327684x64xf32, #tpu.memory_space<hbm>> -> memref<256x64xf32, #tpu.memory_space<hbm>>
    %dma_wait3A_719 = arith.constant 0 : i32
    %dma_wait3A_720 = arith.constant 0 : i32
    %dma_wait3A_721 = tpu.memref_slice %arg8[%dma_wait3A_707, %dma_wait3A_719, %dma_wait3A_720] : memref<2x256x64xf32, #tpu.memory_space<vmem>> -> memref<1x256x64xf32, #tpu.memory_space<vmem>>
    %dma_wait3A_722 = tpu.memref_squeeze %dma_wait3A_721 : memref<1x256x64xf32, #tpu.memory_space<vmem>> -> memref<256x64xf32, #tpu.memory_space<vmem>>
    tpu.wait_dma2 semaphore(%dma_wait3A_716 : memref<!tpu.dma_semaphore, #tpu.memory_space<semaphore_mem>>) src(%dma_wait3A_722 : memref<256x64xf32, #tpu.memory_space<vmem>>) dst(%dma_wait3A_718 : memref<256x64xf32, #tpu.memory_space<hbm>>)
    %eq3A = arith.constant 0 : i32
    %eq3A_723 = arith.cmpi eq, %add3A, %eq3A : i32
    %convert_element_type3A = arith.extui %eq3A_723 : i1 to i32
    %cond3A = arith.constant 0 : i32
    %cond3A_724 = arith.cmpi ne, %convert_element_type3A, %cond3A : i32
    scf.if %cond3A_724 {
      %run_scoped3A = arith.constant 0 : i32
      "tpu.region"() ({
        %run_scoped3A_801 = tpu.sem_alloc : memref<!tpu.dma_semaphore, #tpu.memory_space<semaphore_mem>>
        %dma_start3A_802 = arith.constant 0 : i32
        %dma_start3A_803 = arith.constant 0 : i32
        %dma_start3A_804 = tpu.memref_slice %arg8[%run_scoped3A, %dma_start3A_802, %dma_start3A_803] : memref<2x256x64xf32, #tpu.memory_space<vmem>> -> memref<1x256x64xf32, #tpu.memory_space<vmem>>
        %dma_start3A_805 = tpu.memref_squeeze %dma_start3A_804 : memref<1x256x64xf32, #tpu.memory_space<vmem>> -> memref<256x64xf32, #tpu.memory_space<vmem>>
        %dma_start3A_806 = arith.constant 0 : i32
        %dma_start3A_807 = arith.constant 0 : i32
        %dma_start3A_808 = tpu.memref_slice %dma_start3A_805[%dma_start3A_806, %dma_start3A_807] : memref<256x64xf32, #tpu.memory_space<vmem>> -> memref<4x64xf32, #tpu.memory_space<vmem>>
        %dma_start3A_809 = arith.constant 81920 : i32
        %dma_start3A_810 = arith.constant 0 : i32
        %dma_start3A_811 = tpu.memref_slice %arg2[%dma_start3A_809, %dma_start3A_810] : memref<81924x64xf32, #tpu.memory_space<hbm>> -> memref<4x64xf32, #tpu.memory_space<hbm>>
        %dma_start3A_812 = arith.constant 0 : i32
        %dma_start3A_813 = arith.constant 0 : i32
        %dma_start3A_814 = tpu.memref_slice %arg8[%run_scoped3A, %dma_start3A_812, %dma_start3A_813] : memref<2x256x64xf32, #tpu.memory_space<vmem>> -> memref<1x256x64xf32, #tpu.memory_space<vmem>>
        %dma_start3A_815 = tpu.memref_squeeze %dma_start3A_814 : memref<1x256x64xf32, #tpu.memory_space<vmem>> -> memref<256x64xf32, #tpu.memory_space<vmem>>
        %dma_start3A_816 = arith.constant 0 : i32
        %dma_start3A_817 = arith.constant 0 : i32
        %dma_start3A_818 = tpu.memref_slice %dma_start3A_815[%dma_start3A_816, %dma_start3A_817] : memref<256x64xf32, #tpu.memory_space<vmem>> -> memref<4x64xf32, #tpu.memory_space<vmem>>
        %dma_start3A_819 = arith.constant 81920 : i32
        %dma_start3A_820 = arith.constant 0 : i32
        %dma_start3A_821 = tpu.memref_slice %arg2[%dma_start3A_819, %dma_start3A_820] : memref<81924x64xf32, #tpu.memory_space<hbm>> -> memref<4x64xf32, #tpu.memory_space<hbm>>
        tpu.enqueue_dma source(%dma_start3A_821 : memref<4x64xf32, #tpu.memory_space<hbm>>) target(%dma_start3A_818 : memref<4x64xf32, #tpu.memory_space<vmem>>) target_semaphore(%run_scoped3A_801 : memref<!tpu.dma_semaphore, #tpu.memory_space<semaphore_mem>>)
        %dma_wait3A_822 = arith.constant 0 : i32
        %dma_wait3A_823 = arith.constant 0 : i32
        %dma_wait3A_824 = tpu.memref_slice %arg8[%run_scoped3A, %dma_wait3A_822, %dma_wait3A_823] : memref<2x256x64xf32, #tpu.memory_space<vmem>> -> memref<1x256x64xf32, #tpu.memory_space<vmem>>
        %dma_wait3A_825 = tpu.memref_squeeze %dma_wait3A_824 : memref<1x256x64xf32, #tpu.memory_space<vmem>> -> memref<256x64xf32, #tpu.memory_space<vmem>>
        %dma_wait3A_826 = arith.constant 0 : i32
        %dma_wait3A_827 = arith.constant 0 : i32
        %dma_wait3A_828 = tpu.memref_slice %dma_wait3A_825[%dma_wait3A_826, %dma_wait3A_827] : memref<256x64xf32, #tpu.memory_space<vmem>> -> memref<4x64xf32, #tpu.memory_space<vmem>>
        %dma_wait3A_829 = arith.constant 81920 : i32
        %dma_wait3A_830 = arith.constant 0 : i32
        %dma_wait3A_831 = tpu.memref_slice %arg2[%dma_wait3A_829, %dma_wait3A_830] : memref<81924x64xf32, #tpu.memory_space<hbm>> -> memref<4x64xf32, #tpu.memory_space<hbm>>
        %dma_wait3A_832 = arith.constant 0 : i32
        %dma_wait3A_833 = arith.constant 0 : i32
        %dma_wait3A_834 = tpu.memref_slice %arg8[%run_scoped3A, %dma_wait3A_832, %dma_wait3A_833] : memref<2x256x64xf32, #tpu.memory_space<vmem>> -> memref<1x256x64xf32, #tpu.memory_space<vmem>>
        %dma_wait3A_835 = tpu.memref_squeeze %dma_wait3A_834 : memref<1x256x64xf32, #tpu.memory_space<vmem>> -> memref<256x64xf32, #tpu.memory_space<vmem>>
        %dma_wait3A_836 = arith.constant 0 : i32
        %dma_wait3A_837 = arith.constant 0 : i32
        %dma_wait3A_838 = tpu.memref_slice %dma_wait3A_835[%dma_wait3A_836, %dma_wait3A_837] : memref<256x64xf32, #tpu.memory_space<vmem>> -> memref<4x64xf32, #tpu.memory_space<vmem>>
        %dma_wait3A_839 = arith.constant 81920 : i32
        %dma_wait3A_840 = arith.constant 0 : i32
        %dma_wait3A_841 = tpu.memref_slice %arg2[%dma_wait3A_839, %dma_wait3A_840] : memref<81924x64xf32, #tpu.memory_space<hbm>> -> memref<4x64xf32, #tpu.memory_space<hbm>>
        tpu.wait_dma2 semaphore(%run_scoped3A_801 : memref<!tpu.dma_semaphore, #tpu.memory_space<semaphore_mem>>) src(%dma_wait3A_841 : memref<4x64xf32, #tpu.memory_space<hbm>>) dst(%dma_wait3A_838 : memref<4x64xf32, #tpu.memory_space<vmem>>)
        tpu.yield
      }) : () -> ()
      %run_scoped3A_800 = arith.constant 0 : i32
      "tpu.region"() ({
        %run_scoped3A_801 = tpu.sem_alloc : memref<!tpu.dma_semaphore, #tpu.memory_space<semaphore_mem>>
        %dma_start3A_802 = arith.constant 0 : i32
        %dma_start3A_803 = arith.constant 0 : i32
        %dma_start3A_804 = tpu.memref_slice %arg8[%run_scoped3A_800, %dma_start3A_802, %dma_start3A_803] : memref<2x256x64xf32, #tpu.memory_space<vmem>> -> memref<1x256x64xf32, #tpu.memory_space<vmem>>
        %dma_start3A_805 = tpu.memref_squeeze %dma_start3A_804 : memref<1x256x64xf32, #tpu.memory_space<vmem>> -> memref<256x64xf32, #tpu.memory_space<vmem>>
        %dma_start3A_806 = arith.constant 0 : i32
        %dma_start3A_807 = arith.constant 0 : i32
        %dma_start3A_808 = tpu.memref_slice %dma_start3A_805[%dma_start3A_806, %dma_start3A_807] : memref<256x64xf32, #tpu.memory_space<vmem>> -> memref<4x64xf32, #tpu.memory_space<vmem>>
        %dma_start3A_809 = arith.constant 81920 : i32
        %dma_start3A_810 = arith.constant 0 : i32
        %dma_start3A_811 = tpu.memref_slice %arg5[%dma_start3A_809, %dma_start3A_810] : memref<327684x64xf32, #tpu.memory_space<hbm>> -> memref<4x64xf32, #tpu.memory_space<hbm>>
        %dma_start3A_812 = arith.constant 81920 : i32
        %dma_start3A_813 = arith.constant 0 : i32
        %dma_start3A_814 = tpu.memref_slice %arg5[%dma_start3A_812, %dma_start3A_813] : memref<327684x64xf32, #tpu.memory_space<hbm>> -> memref<4x64xf32, #tpu.memory_space<hbm>>
        %dma_start3A_815 = arith.constant 0 : i32
        %dma_start3A_816 = arith.constant 0 : i32
        %dma_start3A_817 = tpu.memref_slice %arg8[%run_scoped3A_800, %dma_start3A_815, %dma_start3A_816] : memref<2x256x64xf32, #tpu.memory_space<vmem>> -> memref<1x256x64xf32, #tpu.memory_space<vmem>>
        %dma_start3A_818 = tpu.memref_squeeze %dma_start3A_817 : memref<1x256x64xf32, #tpu.memory_space<vmem>> -> memref<256x64xf32, #tpu.memory_space<vmem>>
        %dma_start3A_819 = arith.constant 0 : i32
        %dma_start3A_820 = arith.constant 0 : i32
        %dma_start3A_821 = tpu.memref_slice %dma_start3A_818[%dma_start3A_819, %dma_start3A_820] : memref<256x64xf32, #tpu.memory_space<vmem>> -> memref<4x64xf32, #tpu.memory_space<vmem>>
        tpu.enqueue_dma source(%dma_start3A_821 : memref<4x64xf32, #tpu.memory_space<vmem>>) target(%dma_start3A_814 : memref<4x64xf32, #tpu.memory_space<hbm>>) target_semaphore(%run_scoped3A_801 : memref<!tpu.dma_semaphore, #tpu.memory_space<semaphore_mem>>)
        %dma_wait3A_822 = arith.constant 0 : i32
        %dma_wait3A_823 = arith.constant 0 : i32
        %dma_wait3A_824 = tpu.memref_slice %arg8[%run_scoped3A_800, %dma_wait3A_822, %dma_wait3A_823] : memref<2x256x64xf32, #tpu.memory_space<vmem>> -> memref<1x256x64xf32, #tpu.memory_space<vmem>>
        %dma_wait3A_825 = tpu.memref_squeeze %dma_wait3A_824 : memref<1x256x64xf32, #tpu.memory_space<vmem>> -> memref<256x64xf32, #tpu.memory_space<vmem>>
        %dma_wait3A_826 = arith.constant 0 : i32
        %dma_wait3A_827 = arith.constant 0 : i32
        %dma_wait3A_828 = tpu.memref_slice %dma_wait3A_825[%dma_wait3A_826, %dma_wait3A_827] : memref<256x64xf32, #tpu.memory_space<vmem>> -> memref<4x64xf32, #tpu.memory_space<vmem>>
        %dma_wait3A_829 = arith.constant 81920 : i32
        %dma_wait3A_830 = arith.constant 0 : i32
        %dma_wait3A_831 = tpu.memref_slice %arg5[%dma_wait3A_829, %dma_wait3A_830] : memref<327684x64xf32, #tpu.memory_space<hbm>> -> memref<4x64xf32, #tpu.memory_space<hbm>>
        %dma_wait3A_832 = arith.constant 81920 : i32
        %dma_wait3A_833 = arith.constant 0 : i32
        %dma_wait3A_834 = tpu.memref_slice %arg5[%dma_wait3A_832, %dma_wait3A_833] : memref<327684x64xf32, #tpu.memory_space<hbm>> -> memref<4x64xf32, #tpu.memory_space<hbm>>
        %dma_wait3A_835 = arith.constant 0 : i32
        %dma_wait3A_836 = arith.constant 0 : i32
        %dma_wait3A_837 = tpu.memref_slice %arg8[%run_scoped3A_800, %dma_wait3A_835, %dma_wait3A_836] : memref<2x256x64xf32, #tpu.memory_space<vmem>> -> memref<1x256x64xf32, #tpu.memory_space<vmem>>
        %dma_wait3A_838 = tpu.memref_squeeze %dma_wait3A_837 : memref<1x256x64xf32, #tpu.memory_space<vmem>> -> memref<256x64xf32, #tpu.memory_space<vmem>>
        %dma_wait3A_839 = arith.constant 0 : i32
        %dma_wait3A_840 = arith.constant 0 : i32
        %dma_wait3A_841 = tpu.memref_slice %dma_wait3A_838[%dma_wait3A_839, %dma_wait3A_840] : memref<256x64xf32, #tpu.memory_space<vmem>> -> memref<4x64xf32, #tpu.memory_space<vmem>>
        tpu.wait_dma2 semaphore(%run_scoped3A_801 : memref<!tpu.dma_semaphore, #tpu.memory_space<semaphore_mem>>) src(%dma_wait3A_841 : memref<4x64xf32, #tpu.memory_space<vmem>>) dst(%dma_wait3A_834 : memref<4x64xf32, #tpu.memory_space<hbm>>)
        tpu.yield
      }) : () -> ()
    } else {
    }
    "tpu.region"() ({
      %run_scoped3A = tpu.sem_alloc : memref<!tpu.dma_semaphore, #tpu.memory_space<semaphore_mem>>
      %dma_start3A_800 = arith.constant 0 : i32
      %dma_start3A_801 = arith.constant 0 : i32
      %dma_start3A_802 = tpu.memref_slice %arg4[%add3A, %dma_start3A_800, %dma_start3A_801] : memref<32x30x256xi32, #tpu.memory_space<hbm>> -> memref<1x30x256xi32, #tpu.memory_space<hbm>>
      %dma_start3A_803 = tpu.memref_squeeze %dma_start3A_802 : memref<1x30x256xi32, #tpu.memory_space<hbm>> -> memref<30x256xi32, #tpu.memory_space<hbm>>
      %dma_start3A_804 = arith.constant 0 : i32
      %dma_start3A_805 = arith.constant 0 : i32
      %dma_start3A_806 = tpu.memref_slice %arg4[%add3A, %dma_start3A_804, %dma_start3A_805] : memref<32x30x256xi32, #tpu.memory_space<hbm>> -> memref<1x30x256xi32, #tpu.memory_space<hbm>>
      %dma_start3A_807 = tpu.memref_squeeze %dma_start3A_806 : memref<1x30x256xi32, #tpu.memory_space<hbm>> -> memref<30x256xi32, #tpu.memory_space<hbm>>
      tpu.enqueue_dma source(%dma_start3A_807 : memref<30x256xi32, #tpu.memory_space<hbm>>) target(%arg6 : memref<30x256xi32, #tpu.memory_space<vmem>>) target_semaphore(%run_scoped3A : memref<!tpu.dma_semaphore, #tpu.memory_space<semaphore_mem>>)
      %dma_wait3A_808 = arith.constant 0 : i32
      %dma_wait3A_809 = arith.constant 0 : i32
      %dma_wait3A_810 = tpu.memref_slice %arg4[%add3A, %dma_wait3A_808, %dma_wait3A_809] : memref<32x30x256xi32, #tpu.memory_space<hbm>> -> memref<1x30x256xi32, #tpu.memory_space<hbm>>
      %dma_wait3A_811 = tpu.memref_squeeze %dma_wait3A_810 : memref<1x30x256xi32, #tpu.memory_space<hbm>> -> memref<30x256xi32, #tpu.memory_space<hbm>>
      %dma_wait3A_812 = arith.constant 0 : i32
      %dma_wait3A_813 = arith.constant 0 : i32
      %dma_wait3A_814 = tpu.memref_slice %arg4[%add3A, %dma_wait3A_812, %dma_wait3A_813] : memref<32x30x256xi32, #tpu.memory_space<hbm>> -> memref<1x30x256xi32, #tpu.memory_space<hbm>>
      %dma_wait3A_815 = tpu.memref_squeeze %dma_wait3A_814 : memref<1x30x256xi32, #tpu.memory_space<hbm>> -> memref<30x256xi32, #tpu.memory_space<hbm>>
      tpu.wait_dma2 semaphore(%run_scoped3A : memref<!tpu.dma_semaphore, #tpu.memory_space<semaphore_mem>>) src(%dma_wait3A_815 : memref<30x256xi32, #tpu.memory_space<hbm>>) dst(%arg6 : memref<30x256xi32, #tpu.memory_space<vmem>>)
      tpu.yield
    }) : () -> ()
    %mul3A_725 = arith.constant 7680 : i32
    %mul3A_726 = arith.muli %add3A, %mul3A_725 : i32
    %add3A_727 = arith.constant 81924 : i32
    %add3A_728 = arith.addi %add3A_727, %mul3A_726 : i32
    %dma_start3A_729 = arith.constant 0 : i32
    %dma_start3A_730 = arith.constant 0 : i32
    %dma_start3A_731 = arith.constant 0 : i32
    %dma_start3A_732 = arith.constant 0 : i32
    %dma_start3A_733 = arith.constant 0 : i32
    %dma_start3A_734 = tpu.memref_slice %arg7[%dma_start3A_730, %dma_start3A_732, %dma_start3A_733] : memref<2x256x64xf32, #tpu.memory_space<vmem>> -> memref<1x256x64xf32, #tpu.memory_space<vmem>>
    %dma_start3A_735 = tpu.memref_squeeze %dma_start3A_734 : memref<1x256x64xf32, #tpu.memory_space<vmem>> -> memref<256x64xf32, #tpu.memory_space<vmem>>
    %dma_start3A_736 = arith.constant 0 : i32
    %dma_start3A_737 = tpu.memref_slice %arg6[%dma_start3A_729, %dma_start3A_736] : memref<30x256xi32, #tpu.memory_space<vmem>> -> memref<1x256xi32, #tpu.memory_space<vmem>>
    %dma_start3A_738 = tpu.memref_squeeze %dma_start3A_737 : memref<1x256xi32, #tpu.memory_space<vmem>> -> memref<256xi32, #tpu.memory_space<vmem>>
    %dma_start3A_739 = arith.constant 0 : i32
    %dma_start3A_740 = arith.constant 0 : i32
    %dma_start3A_741 = tpu.memref_slice %arg3[%dma_start3A_739, %dma_start3A_740] : memref<40962x64xf32, #tpu.memory_space<hbm>> -> memref<40962x64xf32, #tpu.memory_space<hbm>>
    %dma_start3A_742 = tpu.memref_slice %arg9[%dma_start3A_731] : memref<2x!tpu.dma_semaphore, #tpu.memory_space<semaphore_mem>> -> memref<1x!tpu.dma_semaphore, #tpu.memory_space<semaphore_mem>>
    %dma_start3A_743 = tpu.memref_squeeze %dma_start3A_742 : memref<1x!tpu.dma_semaphore, #tpu.memory_space<semaphore_mem>> -> memref<!tpu.dma_semaphore, #tpu.memory_space<semaphore_mem>>
    tpu.enqueue_indirect_dma source(%dma_start3A_741 : memref<40962x64xf32, #tpu.memory_space<hbm>>) target(%dma_start3A_735 : memref<256x64xf32, #tpu.memory_space<vmem>>) offsets(%dma_start3A_738 : memref<256xi32, #tpu.memory_space<vmem>>) semaphore(%dma_start3A_743 : memref<!tpu.dma_semaphore, #tpu.memory_space<semaphore_mem>>)
    %dma_start3A_744 = arith.constant 1 : i32
    %dma_start3A_745 = arith.constant 1 : i32
    %dma_start3A_746 = arith.constant 1 : i32
    %dma_start3A_747 = arith.constant 0 : i32
    %dma_start3A_748 = arith.constant 0 : i32
    %dma_start3A_749 = tpu.memref_slice %arg7[%dma_start3A_745, %dma_start3A_747, %dma_start3A_748] : memref<2x256x64xf32, #tpu.memory_space<vmem>> -> memref<1x256x64xf32, #tpu.memory_space<vmem>>
    %dma_start3A_750 = tpu.memref_squeeze %dma_start3A_749 : memref<1x256x64xf32, #tpu.memory_space<vmem>> -> memref<256x64xf32, #tpu.memory_space<vmem>>
    %dma_start3A_751 = arith.constant 0 : i32
    %dma_start3A_752 = tpu.memref_slice %arg6[%dma_start3A_744, %dma_start3A_751] : memref<30x256xi32, #tpu.memory_space<vmem>> -> memref<1x256xi32, #tpu.memory_space<vmem>>
    %dma_start3A_753 = tpu.memref_squeeze %dma_start3A_752 : memref<1x256xi32, #tpu.memory_space<vmem>> -> memref<256xi32, #tpu.memory_space<vmem>>
    %dma_start3A_754 = arith.constant 0 : i32
    %dma_start3A_755 = arith.constant 0 : i32
    %dma_start3A_756 = tpu.memref_slice %arg3[%dma_start3A_754, %dma_start3A_755] : memref<40962x64xf32, #tpu.memory_space<hbm>> -> memref<40962x64xf32, #tpu.memory_space<hbm>>
    %dma_start3A_757 = tpu.memref_slice %arg9[%dma_start3A_746] : memref<2x!tpu.dma_semaphore, #tpu.memory_space<semaphore_mem>> -> memref<1x!tpu.dma_semaphore, #tpu.memory_space<semaphore_mem>>
    %dma_start3A_758 = tpu.memref_squeeze %dma_start3A_757 : memref<1x!tpu.dma_semaphore, #tpu.memory_space<semaphore_mem>> -> memref<!tpu.dma_semaphore, #tpu.memory_space<semaphore_mem>>
    tpu.enqueue_indirect_dma source(%dma_start3A_756 : memref<40962x64xf32, #tpu.memory_space<hbm>>) target(%dma_start3A_750 : memref<256x64xf32, #tpu.memory_space<vmem>>) offsets(%dma_start3A_753 : memref<256xi32, #tpu.memory_space<vmem>>) semaphore(%dma_start3A_758 : memref<!tpu.dma_semaphore, #tpu.memory_space<semaphore_mem>>)
    %scan3A = arith.constant 0 : i32
    %scan3A_759 = arith.constant 0 : i32
    %scan3A_760 = arith.constant 15 : i32
    %scan3A_761 = arith.addi %scan3A_759, %scan3A_760 : i32
    %scan3A_762 = arith.constant 1 : i32
    scf.for %scan3A_800 = %scan3A_759 to %scan3A_761 step %scan3A_762  : i32 {
      %mul3A_801 = arith.constant 2 : i32
      %mul3A_802 = arith.muli %scan3A_800, %mul3A_801 : i32
      %add3A_803 = arith.constant 0 : i32
      %add3A_804 = arith.addi %mul3A_802, %add3A_803 : i32
      %dma_wait3A_805 = arith.constant 0 : i32
      %dma_wait3A_806 = arith.constant 0 : i32
      %dma_wait3A_807 = arith.constant 0 : i32
      %dma_wait3A_808 = arith.constant 0 : i32
      %dma_wait3A_809 = tpu.memref_slice %arg7[%dma_wait3A_805, %dma_wait3A_807, %dma_wait3A_808] : memref<2x256x64xf32, #tpu.memory_space<vmem>> -> memref<1x256x64xf32, #tpu.memory_space<vmem>>
      %dma_wait3A_810 = tpu.memref_squeeze %dma_wait3A_809 : memref<1x256x64xf32, #tpu.memory_space<vmem>> -> memref<256x64xf32, #tpu.memory_space<vmem>>
      %dma_wait3A_811 = arith.constant 0 : i32
      %dma_wait3A_812 = tpu.memref_slice %arg6[%add3A_804, %dma_wait3A_811] : memref<30x256xi32, #tpu.memory_space<vmem>> -> memref<1x256xi32, #tpu.memory_space<vmem>>
      %dma_wait3A_813 = tpu.memref_squeeze %dma_wait3A_812 : memref<1x256xi32, #tpu.memory_space<vmem>> -> memref<256xi32, #tpu.memory_space<vmem>>
      %dma_wait3A_814 = arith.constant 0 : i32
      %dma_wait3A_815 = arith.constant 0 : i32
      %dma_wait3A_816 = tpu.memref_slice %arg3[%dma_wait3A_814, %dma_wait3A_815] : memref<40962x64xf32, #tpu.memory_space<hbm>> -> memref<40962x64xf32, #tpu.memory_space<hbm>>
      %dma_wait3A_817 = tpu.memref_slice %arg9[%dma_wait3A_806] : memref<2x!tpu.dma_semaphore, #tpu.memory_space<semaphore_mem>> -> memref<1x!tpu.dma_semaphore, #tpu.memory_space<semaphore_mem>>
      %dma_wait3A_818 = tpu.memref_squeeze %dma_wait3A_817 : memref<1x!tpu.dma_semaphore, #tpu.memory_space<semaphore_mem>> -> memref<!tpu.dma_semaphore, #tpu.memory_space<semaphore_mem>>
      tpu.wait_indirect_dma semaphore(%dma_wait3A_818 : memref<!tpu.dma_semaphore, #tpu.memory_space<semaphore_mem>>) src(%dma_wait3A_816 : memref<40962x64xf32, #tpu.memory_space<hbm>>) dst(%dma_wait3A_810 : memref<256x64xf32, #tpu.memory_space<vmem>>)
      %mul3A_819 = arith.constant 256 : i32
      %mul3A_820 = arith.muli %add3A_804, %mul3A_819 : i32
      %add3A_821 = arith.addi %add3A_728, %mul3A_820 : i32
      %dma_start3A_822 = arith.constant 0 : i32
      %dma_start3A_823 = arith.constant 0 : i32
      %dma_start3A_824 = arith.constant 0 : i32
      %dma_start3A_825 = arith.constant 0 : i32
      %dma_start3A_826 = tpu.memref_slice %arg7[%dma_start3A_822, %dma_start3A_824, %dma_start3A_825] : memref<2x256x64xf32, #tpu.memory_space<vmem>> -> memref<1x256x64xf32, #tpu.memory_space<vmem>>
      %dma_start3A_827 = tpu.memref_squeeze %dma_start3A_826 : memref<1x256x64xf32, #tpu.memory_space<vmem>> -> memref<256x64xf32, #tpu.memory_space<vmem>>
      %dma_start3A_828 = arith.constant 0 : i32
      %dma_start3A_829 = tpu.memref_slice %arg5[%add3A_821, %dma_start3A_828] : memref<327684x64xf32, #tpu.memory_space<hbm>> -> memref<256x64xf32, #tpu.memory_space<hbm>>
      %dma_start3A_830 = tpu.memref_slice %arg10[%dma_start3A_823] : memref<2x!tpu.dma_semaphore, #tpu.memory_space<semaphore_mem>> -> memref<1x!tpu.dma_semaphore, #tpu.memory_space<semaphore_mem>>
      %dma_start3A_831 = tpu.memref_squeeze %dma_start3A_830 : memref<1x!tpu.dma_semaphore, #tpu.memory_space<semaphore_mem>> -> memref<!tpu.dma_semaphore, #tpu.memory_space<semaphore_mem>>
      %dma_start3A_832 = arith.constant 0 : i32
      %dma_start3A_833 = tpu.memref_slice %arg5[%add3A_821, %dma_start3A_832] : memref<327684x64xf32, #tpu.memory_space<hbm>> -> memref<256x64xf32, #tpu.memory_space<hbm>>
      %dma_start3A_834 = arith.constant 0 : i32
      %dma_start3A_835 = arith.constant 0 : i32
      %dma_start3A_836 = tpu.memref_slice %arg7[%dma_start3A_822, %dma_start3A_834, %dma_start3A_835] : memref<2x256x64xf32, #tpu.memory_space<vmem>> -> memref<1x256x64xf32, #tpu.memory_space<vmem>>
      %dma_start3A_837 = tpu.memref_squeeze %dma_start3A_836 : memref<1x256x64xf32, #tpu.memory_space<vmem>> -> memref<256x64xf32, #tpu.memory_space<vmem>>
      tpu.enqueue_dma source(%dma_start3A_837 : memref<256x64xf32, #tpu.memory_space<vmem>>) target(%dma_start3A_833 : memref<256x64xf32, #tpu.memory_space<hbm>>) target_semaphore(%dma_start3A_831 : memref<!tpu.dma_semaphore, #tpu.memory_space<semaphore_mem>>)
      %add3A_838 = arith.constant 2 : i32
      %add3A_839 = arith.addi %add3A_804, %add3A_838 : i32
      %lt3A = arith.constant 30 : i32
      %lt3A_840 = arith.cmpi slt, %add3A_839, %lt3A : i32
      %convert_element_type3A_841 = arith.extui %lt3A_840 : i1 to i32
      %cond3A_842 = arith.constant 0 : i32
      %cond3A_843 = arith.cmpi ne, %convert_element_type3A_841, %cond3A_842 : i32
      scf.if %cond3A_843 {
        %mul3A_888 = arith.constant 256 : i32
        %mul3A_889 = arith.muli %add3A_804, %mul3A_888 : i32
        %add3A_890 = arith.addi %add3A_728, %mul3A_889 : i32
        %dma_wait3A_891 = arith.constant 0 : i32
        %dma_wait3A_892 = arith.constant 0 : i32
        %dma_wait3A_893 = arith.constant 0 : i32
        %dma_wait3A_894 = arith.constant 0 : i32
        %dma_wait3A_895 = tpu.memref_slice %arg7[%dma_wait3A_891, %dma_wait3A_893, %dma_wait3A_894] : memref<2x256x64xf32, #tpu.memory_space<vmem>> -> memref<1x256x64xf32, #tpu.memory_space<vmem>>
        %dma_wait3A_896 = tpu.memref_squeeze %dma_wait3A_895 : memref<1x256x64xf32, #tpu.memory_space<vmem>> -> memref<256x64xf32, #tpu.memory_space<vmem>>
        %dma_wait3A_897 = arith.constant 0 : i32
        %dma_wait3A_898 = tpu.memref_slice %arg5[%add3A_890, %dma_wait3A_897] : memref<327684x64xf32, #tpu.memory_space<hbm>> -> memref<256x64xf32, #tpu.memory_space<hbm>>
        %dma_wait3A_899 = tpu.memref_slice %arg10[%dma_wait3A_892] : memref<2x!tpu.dma_semaphore, #tpu.memory_space<semaphore_mem>> -> memref<1x!tpu.dma_semaphore, #tpu.memory_space<semaphore_mem>>
        %dma_wait3A_900 = tpu.memref_squeeze %dma_wait3A_899 : memref<1x!tpu.dma_semaphore, #tpu.memory_space<semaphore_mem>> -> memref<!tpu.dma_semaphore, #tpu.memory_space<semaphore_mem>>
        %dma_wait3A_901 = arith.constant 0 : i32
        %dma_wait3A_902 = tpu.memref_slice %arg5[%add3A_890, %dma_wait3A_901] : memref<327684x64xf32, #tpu.memory_space<hbm>> -> memref<256x64xf32, #tpu.memory_space<hbm>>
        %dma_wait3A_903 = arith.constant 0 : i32
        %dma_wait3A_904 = arith.constant 0 : i32
        %dma_wait3A_905 = tpu.memref_slice %arg7[%dma_wait3A_891, %dma_wait3A_903, %dma_wait3A_904] : memref<2x256x64xf32, #tpu.memory_space<vmem>> -> memref<1x256x64xf32, #tpu.memory_space<vmem>>
        %dma_wait3A_906 = tpu.memref_squeeze %dma_wait3A_905 : memref<1x256x64xf32, #tpu.memory_space<vmem>> -> memref<256x64xf32, #tpu.memory_space<vmem>>
        tpu.wait_dma2 semaphore(%dma_wait3A_900 : memref<!tpu.dma_semaphore, #tpu.memory_space<semaphore_mem>>) src(%dma_wait3A_906 : memref<256x64xf32, #tpu.memory_space<vmem>>) dst(%dma_wait3A_902 : memref<256x64xf32, #tpu.memory_space<hbm>>)
        %dma_start3A_907 = arith.constant 0 : i32
        %dma_start3A_908 = arith.constant 0 : i32
        %dma_start3A_909 = arith.constant 0 : i32
        %dma_start3A_910 = arith.constant 0 : i32
        %dma_start3A_911 = tpu.memref_slice %arg7[%dma_start3A_907, %dma_start3A_909, %dma_start3A_910] : memref<2x256x64xf32, #tpu.memory_space<vmem>> -> memref<1x256x64xf32, #tpu.memory_space<vmem>>
        %dma_start3A_912 = tpu.memref_squeeze %dma_start3A_911 : memref<1x256x64xf32, #tpu.memory_space<vmem>> -> memref<256x64xf32, #tpu.memory_space<vmem>>
        %dma_start3A_913 = arith.constant 0 : i32
        %dma_start3A_914 = tpu.memref_slice %arg6[%add3A_839, %dma_start3A_913] : memref<30x256xi32, #tpu.memory_space<vmem>> -> memref<1x256xi32, #tpu.memory_space<vmem>>
        %dma_start3A_915 = tpu.memref_squeeze %dma_start3A_914 : memref<1x256xi32, #tpu.memory_space<vmem>> -> memref<256xi32, #tpu.memory_space<vmem>>
        %dma_start3A_916 = arith.constant 0 : i32
        %dma_start3A_917 = arith.constant 0 : i32
        %dma_start3A_918 = tpu.memref_slice %arg3[%dma_start3A_916, %dma_start3A_917] : memref<40962x64xf32, #tpu.memory_space<hbm>> -> memref<40962x64xf32, #tpu.memory_space<hbm>>
        %dma_start3A_919 = tpu.memref_slice %arg9[%dma_start3A_908] : memref<2x!tpu.dma_semaphore, #tpu.memory_space<semaphore_mem>> -> memref<1x!tpu.dma_semaphore, #tpu.memory_space<semaphore_mem>>
        %dma_start3A_920 = tpu.memref_squeeze %dma_start3A_919 : memref<1x!tpu.dma_semaphore, #tpu.memory_space<semaphore_mem>> -> memref<!tpu.dma_semaphore, #tpu.memory_space<semaphore_mem>>
        tpu.enqueue_indirect_dma source(%dma_start3A_918 : memref<40962x64xf32, #tpu.memory_space<hbm>>) target(%dma_start3A_912 : memref<256x64xf32, #tpu.memory_space<vmem>>) offsets(%dma_start3A_915 : memref<256xi32, #tpu.memory_space<vmem>>) semaphore(%dma_start3A_920 : memref<!tpu.dma_semaphore, #tpu.memory_space<semaphore_mem>>)
      } else {
      }
      %mul3A_844 = arith.constant 2 : i32
      %mul3A_845 = arith.muli %scan3A_800, %mul3A_844 : i32
      %add3A_846 = arith.constant 1 : i32
      %add3A_847 = arith.addi %mul3A_845, %add3A_846 : i32
      %dma_wait3A_848 = arith.constant 1 : i32
      %dma_wait3A_849 = arith.constant 1 : i32
      %dma_wait3A_850 = arith.constant 0 : i32
      %dma_wait3A_851 = arith.constant 0 : i32
      %dma_wait3A_852 = tpu.memref_slice %arg7[%dma_wait3A_848, %dma_wait3A_850, %dma_wait3A_851] : memref<2x256x64xf32, #tpu.memory_space<vmem>> -> memref<1x256x64xf32, #tpu.memory_space<vmem>>
      %dma_wait3A_853 = tpu.memref_squeeze %dma_wait3A_852 : memref<1x256x64xf32, #tpu.memory_space<vmem>> -> memref<256x64xf32, #tpu.memory_space<vmem>>
      %dma_wait3A_854 = arith.constant 0 : i32
      %dma_wait3A_855 = tpu.memref_slice %arg6[%add3A_847, %dma_wait3A_854] : memref<30x256xi32, #tpu.memory_space<vmem>> -> memref<1x256xi32, #tpu.memory_space<vmem>>
      %dma_wait3A_856 = tpu.memref_squeeze %dma_wait3A_855 : memref<1x256xi32, #tpu.memory_space<vmem>> -> memref<256xi32, #tpu.memory_space<vmem>>
      %dma_wait3A_857 = arith.constant 0 : i32
      %dma_wait3A_858 = arith.constant 0 : i32
      %dma_wait3A_859 = tpu.memref_slice %arg3[%dma_wait3A_857, %dma_wait3A_858] : memref<40962x64xf32, #tpu.memory_space<hbm>> -> memref<40962x64xf32, #tpu.memory_space<hbm>>
      %dma_wait3A_860 = tpu.memref_slice %arg9[%dma_wait3A_849] : memref<2x!tpu.dma_semaphore, #tpu.memory_space<semaphore_mem>> -> memref<1x!tpu.dma_semaphore, #tpu.memory_space<semaphore_mem>>
      %dma_wait3A_861 = tpu.memref_squeeze %dma_wait3A_860 : memref<1x!tpu.dma_semaphore, #tpu.memory_space<semaphore_mem>> -> memref<!tpu.dma_semaphore, #tpu.memory_space<semaphore_mem>>
      tpu.wait_indirect_dma semaphore(%dma_wait3A_861 : memref<!tpu.dma_semaphore, #tpu.memory_space<semaphore_mem>>) src(%dma_wait3A_859 : memref<40962x64xf32, #tpu.memory_space<hbm>>) dst(%dma_wait3A_853 : memref<256x64xf32, #tpu.memory_space<vmem>>)
      %mul3A_862 = arith.constant 256 : i32
      %mul3A_863 = arith.muli %add3A_847, %mul3A_862 : i32
      %add3A_864 = arith.addi %add3A_728, %mul3A_863 : i32
      %dma_start3A_865 = arith.constant 1 : i32
      %dma_start3A_866 = arith.constant 1 : i32
      %dma_start3A_867 = arith.constant 0 : i32
      %dma_start3A_868 = arith.constant 0 : i32
      %dma_start3A_869 = tpu.memref_slice %arg7[%dma_start3A_865, %dma_start3A_867, %dma_start3A_868] : memref<2x256x64xf32, #tpu.memory_space<vmem>> -> memref<1x256x64xf32, #tpu.memory_space<vmem>>
      %dma_start3A_870 = tpu.memref_squeeze %dma_start3A_869 : memref<1x256x64xf32, #tpu.memory_space<vmem>> -> memref<256x64xf32, #tpu.memory_space<vmem>>
      %dma_start3A_871 = arith.constant 0 : i32
      %dma_start3A_872 = tpu.memref_slice %arg5[%add3A_864, %dma_start3A_871] : memref<327684x64xf32, #tpu.memory_space<hbm>> -> memref<256x64xf32, #tpu.memory_space<hbm>>
      %dma_start3A_873 = tpu.memref_slice %arg10[%dma_start3A_866] : memref<2x!tpu.dma_semaphore, #tpu.memory_space<semaphore_mem>> -> memref<1x!tpu.dma_semaphore, #tpu.memory_space<semaphore_mem>>
      %dma_start3A_874 = tpu.memref_squeeze %dma_start3A_873 : memref<1x!tpu.dma_semaphore, #tpu.memory_space<semaphore_mem>> -> memref<!tpu.dma_semaphore, #tpu.memory_space<semaphore_mem>>
      %dma_start3A_875 = arith.constant 0 : i32
      %dma_start3A_876 = tpu.memref_slice %arg5[%add3A_864, %dma_start3A_875] : memref<327684x64xf32, #tpu.memory_space<hbm>> -> memref<256x64xf32, #tpu.memory_space<hbm>>
      %dma_start3A_877 = arith.constant 0 : i32
      %dma_start3A_878 = arith.constant 0 : i32
      %dma_start3A_879 = tpu.memref_slice %arg7[%dma_start3A_865, %dma_start3A_877, %dma_start3A_878] : memref<2x256x64xf32, #tpu.memory_space<vmem>> -> memref<1x256x64xf32, #tpu.memory_space<vmem>>
      %dma_start3A_880 = tpu.memref_squeeze %dma_start3A_879 : memref<1x256x64xf32, #tpu.memory_space<vmem>> -> memref<256x64xf32, #tpu.memory_space<vmem>>
      tpu.enqueue_dma source(%dma_start3A_880 : memref<256x64xf32, #tpu.memory_space<vmem>>) target(%dma_start3A_876 : memref<256x64xf32, #tpu.memory_space<hbm>>) target_semaphore(%dma_start3A_874 : memref<!tpu.dma_semaphore, #tpu.memory_space<semaphore_mem>>)
      %add3A_881 = arith.constant 2 : i32
      %add3A_882 = arith.addi %add3A_847, %add3A_881 : i32
      %lt3A_883 = arith.constant 30 : i32
      %lt3A_884 = arith.cmpi slt, %add3A_882, %lt3A_883 : i32
      %convert_element_type3A_885 = arith.extui %lt3A_884 : i1 to i32
      %cond3A_886 = arith.constant 0 : i32
      %cond3A_887 = arith.cmpi ne, %convert_element_type3A_885, %cond3A_886 : i32
      scf.if %cond3A_887 {
        %mul3A_888 = arith.constant 256 : i32
        %mul3A_889 = arith.muli %add3A_847, %mul3A_888 : i32
        %add3A_890 = arith.addi %add3A_728, %mul3A_889 : i32
        %dma_wait3A_891 = arith.constant 1 : i32
        %dma_wait3A_892 = arith.constant 1 : i32
        %dma_wait3A_893 = arith.constant 0 : i32
        %dma_wait3A_894 = arith.constant 0 : i32
        %dma_wait3A_895 = tpu.memref_slice %arg7[%dma_wait3A_891, %dma_wait3A_893, %dma_wait3A_894] : memref<2x256x64xf32, #tpu.memory_space<vmem>> -> memref<1x256x64xf32, #tpu.memory_space<vmem>>
        %dma_wait3A_896 = tpu.memref_squeeze %dma_wait3A_895 : memref<1x256x64xf32, #tpu.memory_space<vmem>> -> memref<256x64xf32, #tpu.memory_space<vmem>>
        %dma_wait3A_897 = arith.constant 0 : i32
        %dma_wait3A_898 = tpu.memref_slice %arg5[%add3A_890, %dma_wait3A_897] : memref<327684x64xf32, #tpu.memory_space<hbm>> -> memref<256x64xf32, #tpu.memory_space<hbm>>
        %dma_wait3A_899 = tpu.memref_slice %arg10[%dma_wait3A_892] : memref<2x!tpu.dma_semaphore, #tpu.memory_space<semaphore_mem>> -> memref<1x!tpu.dma_semaphore, #tpu.memory_space<semaphore_mem>>
        %dma_wait3A_900 = tpu.memref_squeeze %dma_wait3A_899 : memref<1x!tpu.dma_semaphore, #tpu.memory_space<semaphore_mem>> -> memref<!tpu.dma_semaphore, #tpu.memory_space<semaphore_mem>>
        %dma_wait3A_901 = arith.constant 0 : i32
        %dma_wait3A_902 = tpu.memref_slice %arg5[%add3A_890, %dma_wait3A_901] : memref<327684x64xf32, #tpu.memory_space<hbm>> -> memref<256x64xf32, #tpu.memory_space<hbm>>
        %dma_wait3A_903 = arith.constant 0 : i32
        %dma_wait3A_904 = arith.constant 0 : i32
        %dma_wait3A_905 = tpu.memref_slice %arg7[%dma_wait3A_891, %dma_wait3A_903, %dma_wait3A_904] : memref<2x256x64xf32, #tpu.memory_space<vmem>> -> memref<1x256x64xf32, #tpu.memory_space<vmem>>
        %dma_wait3A_906 = tpu.memref_squeeze %dma_wait3A_905 : memref<1x256x64xf32, #tpu.memory_space<vmem>> -> memref<256x64xf32, #tpu.memory_space<vmem>>
        tpu.wait_dma2 semaphore(%dma_wait3A_900 : memref<!tpu.dma_semaphore, #tpu.memory_space<semaphore_mem>>) src(%dma_wait3A_906 : memref<256x64xf32, #tpu.memory_space<vmem>>) dst(%dma_wait3A_902 : memref<256x64xf32, #tpu.memory_space<hbm>>)
        %dma_start3A_907 = arith.constant 1 : i32
        %dma_start3A_908 = arith.constant 1 : i32
        %dma_start3A_909 = arith.constant 0 : i32
        %dma_start3A_910 = arith.constant 0 : i32
        %dma_start3A_911 = tpu.memref_slice %arg7[%dma_start3A_907, %dma_start3A_909, %dma_start3A_910] : memref<2x256x64xf32, #tpu.memory_space<vmem>> -> memref<1x256x64xf32, #tpu.memory_space<vmem>>
        %dma_start3A_912 = tpu.memref_squeeze %dma_start3A_911 : memref<1x256x64xf32, #tpu.memory_space<vmem>> -> memref<256x64xf32, #tpu.memory_space<vmem>>
        %dma_start3A_913 = arith.constant 0 : i32
        %dma_start3A_914 = tpu.memref_slice %arg6[%add3A_882, %dma_start3A_913] : memref<30x256xi32, #tpu.memory_space<vmem>> -> memref<1x256xi32, #tpu.memory_space<vmem>>
        %dma_start3A_915 = tpu.memref_squeeze %dma_start3A_914 : memref<1x256xi32, #tpu.memory_space<vmem>> -> memref<256xi32, #tpu.memory_space<vmem>>
        %dma_start3A_916 = arith.constant 0 : i32
        %dma_start3A_917 = arith.constant 0 : i32
        %dma_start3A_918 = tpu.memref_slice %arg3[%dma_start3A_916, %dma_start3A_917] : memref<40962x64xf32, #tpu.memory_space<hbm>> -> memref<40962x64xf32, #tpu.memory_space<hbm>>
        %dma_start3A_919 = tpu.memref_slice %arg9[%dma_start3A_908] : memref<2x!tpu.dma_semaphore, #tpu.memory_space<semaphore_mem>> -> memref<1x!tpu.dma_semaphore, #tpu.memory_space<semaphore_mem>>
        %dma_start3A_920 = tpu.memref_squeeze %dma_start3A_919 : memref<1x!tpu.dma_semaphore, #tpu.memory_space<semaphore_mem>> -> memref<!tpu.dma_semaphore, #tpu.memory_space<semaphore_mem>>
        tpu.enqueue_indirect_dma source(%dma_start3A_918 : memref<40962x64xf32, #tpu.memory_space<hbm>>) target(%dma_start3A_912 : memref<256x64xf32, #tpu.memory_space<vmem>>) offsets(%dma_start3A_915 : memref<256xi32, #tpu.memory_space<vmem>>) semaphore(%dma_start3A_920 : memref<!tpu.dma_semaphore, #tpu.memory_space<semaphore_mem>>)
      } else {
      }
    }
    %scan3A_763 = arith.constant 15 : i32
    %add3A_764 = arith.constant 7168 : i32
    %add3A_765 = arith.addi %add3A_728, %add3A_764 : i32
    %dma_wait3A_766 = arith.constant 0 : i32
    %dma_wait3A_767 = arith.constant 0 : i32
    %dma_wait3A_768 = arith.constant 0 : i32
    %dma_wait3A_769 = arith.constant 0 : i32
    %dma_wait3A_770 = tpu.memref_slice %arg7[%dma_wait3A_766, %dma_wait3A_768, %dma_wait3A_769] : memref<2x256x64xf32, #tpu.memory_space<vmem>> -> memref<1x256x64xf32, #tpu.memory_space<vmem>>
    %dma_wait3A_771 = tpu.memref_squeeze %dma_wait3A_770 : memref<1x256x64xf32, #tpu.memory_space<vmem>> -> memref<256x64xf32, #tpu.memory_space<vmem>>
    %dma_wait3A_772 = arith.constant 0 : i32
    %dma_wait3A_773 = tpu.memref_slice %arg5[%add3A_765, %dma_wait3A_772] : memref<327684x64xf32, #tpu.memory_space<hbm>> -> memref<256x64xf32, #tpu.memory_space<hbm>>
    %dma_wait3A_774 = tpu.memref_slice %arg10[%dma_wait3A_767] : memref<2x!tpu.dma_semaphore, #tpu.memory_space<semaphore_mem>> -> memref<1x!tpu.dma_semaphore, #tpu.memory_space<semaphore_mem>>
    %dma_wait3A_775 = tpu.memref_squeeze %dma_wait3A_774 : memref<1x!tpu.dma_semaphore, #tpu.memory_space<semaphore_mem>> -> memref<!tpu.dma_semaphore, #tpu.memory_space<semaphore_mem>>
    %dma_wait3A_776 = arith.constant 0 : i32
    %dma_wait3A_777 = tpu.memref_slice %arg5[%add3A_765, %dma_wait3A_776] : memref<327684x64xf32, #tpu.memory_space<hbm>> -> memref<256x64xf32, #tpu.memory_space<hbm>>
    %dma_wait3A_778 = arith.constant 0 : i32
    %dma_wait3A_779 = arith.constant 0 : i32
    %dma_wait3A_780 = tpu.memref_slice %arg7[%dma_wait3A_766, %dma_wait3A_778, %dma_wait3A_779] : memref<2x256x64xf32, #tpu.memory_space<vmem>> -> memref<1x256x64xf32, #tpu.memory_space<vmem>>
    %dma_wait3A_781 = tpu.memref_squeeze %dma_wait3A_780 : memref<1x256x64xf32, #tpu.memory_space<vmem>> -> memref<256x64xf32, #tpu.memory_space<vmem>>
    tpu.wait_dma2 semaphore(%dma_wait3A_775 : memref<!tpu.dma_semaphore, #tpu.memory_space<semaphore_mem>>) src(%dma_wait3A_781 : memref<256x64xf32, #tpu.memory_space<vmem>>) dst(%dma_wait3A_777 : memref<256x64xf32, #tpu.memory_space<hbm>>)
    %add3A_782 = arith.constant 7424 : i32
    %add3A_783 = arith.addi %add3A_728, %add3A_782 : i32
    %dma_wait3A_784 = arith.constant 1 : i32
    %dma_wait3A_785 = arith.constant 1 : i32
    %dma_wait3A_786 = arith.constant 0 : i32
    %dma_wait3A_787 = arith.constant 0 : i32
    %dma_wait3A_788 = tpu.memref_slice %arg7[%dma_wait3A_784, %dma_wait3A_786, %dma_wait3A_787] : memref<2x256x64xf32, #tpu.memory_space<vmem>> -> memref<1x256x64xf32, #tpu.memory_space<vmem>>
    %dma_wait3A_789 = tpu.memref_squeeze %dma_wait3A_788 : memref<1x256x64xf32, #tpu.memory_space<vmem>> -> memref<256x64xf32, #tpu.memory_space<vmem>>
    %dma_wait3A_790 = arith.constant 0 : i32
    %dma_wait3A_791 = tpu.memref_slice %arg5[%add3A_783, %dma_wait3A_790] : memref<327684x64xf32, #tpu.memory_space<hbm>> -> memref<256x64xf32, #tpu.memory_space<hbm>>
    %dma_wait3A_792 = tpu.memref_slice %arg10[%dma_wait3A_785] : memref<2x!tpu.dma_semaphore, #tpu.memory_space<semaphore_mem>> -> memref<1x!tpu.dma_semaphore, #tpu.memory_space<semaphore_mem>>
    %dma_wait3A_793 = tpu.memref_squeeze %dma_wait3A_792 : memref<1x!tpu.dma_semaphore, #tpu.memory_space<semaphore_mem>> -> memref<!tpu.dma_semaphore, #tpu.memory_space<semaphore_mem>>
    %dma_wait3A_794 = arith.constant 0 : i32
    %dma_wait3A_795 = tpu.memref_slice %arg5[%add3A_783, %dma_wait3A_794] : memref<327684x64xf32, #tpu.memory_space<hbm>> -> memref<256x64xf32, #tpu.memory_space<hbm>>
    %dma_wait3A_796 = arith.constant 0 : i32
    %dma_wait3A_797 = arith.constant 0 : i32
    %dma_wait3A_798 = tpu.memref_slice %arg7[%dma_wait3A_784, %dma_wait3A_796, %dma_wait3A_797] : memref<2x256x64xf32, #tpu.memory_space<vmem>> -> memref<1x256x64xf32, #tpu.memory_space<vmem>>
    %dma_wait3A_799 = tpu.memref_squeeze %dma_wait3A_798 : memref<1x256x64xf32, #tpu.memory_space<vmem>> -> memref<256x64xf32, #tpu.memory_space<vmem>>
    tpu.wait_dma2 semaphore(%dma_wait3A_793 : memref<!tpu.dma_semaphore, #tpu.memory_space<semaphore_mem>>) src(%dma_wait3A_799 : memref<256x64xf32, #tpu.memory_space<vmem>>) dst(%dma_wait3A_795 : memref<256x64xf32, #tpu.memory_space<hbm>>)
    return
  }
}

module attributes {stable_mosaic.version = 14 : i64} {
  func.func @_pair_avg_body(%arg0: i32, %arg1: memref<8192x128xf32, #tpu.memory_space<vmem>>, %arg2: memref<128x64xf32, #tpu.memory_space<vmem>>, %arg3: memref<8192x64xf32, #tpu.memory_space<vmem>>) attributes {dimension_semantics = [#tpu.dimension_semantics<arbitrary>], iteration_bounds = array<i64: 6>, scalar_prefetch = 0 : i64, scratch_operands = 0 : i64, tpu.core_type = #tpu.core_type<tc>, window_params = [{transform_indices = @transform_0, window_bounds = array<i64: 8192, 128>}, {pipeline_mode = #tpu.pipeline_mode<synchronous>, transform_indices = @transform_1, window_bounds = array<i64: 128, 64>}, {transform_indices = @transform_2, window_bounds = array<i64: 8192, 64>}]} {
    %get3A = arith.constant 0 : index
    %get3A_0 = arith.constant 0 : index
    %get3A_1 = vector.load %arg1[%get3A, %get3A_0] : memref<8192x128xf32, #tpu.memory_space<vmem>>, vector<8192x128xf32>
    %get3A_2 = arith.constant 0 : index
    %get3A_3 = arith.constant 0 : index
    %get3A_4 = vector.load %arg2[%get3A_2, %get3A_3] : memref<128x64xf32, #tpu.memory_space<vmem>>, vector<128x64xf32>
    %dot_general3A = arith.constant dense<0.000000e+00> : vector<8192x64xf32>
    %dot_general3A_5 = tpu.matmul %get3A_1, %get3A_4, %dot_general3A {dimension_numbers = #tpu.dot_dimension_numbers<[1], [0], [0], [1], [0, 0, 1, 1], [], []>, transpose_lhs_hint = false} : vector<8192x128xf32>, vector<128x64xf32>, vector<8192x64xf32> -> vector<8192x64xf32>
    %swap3A = arith.constant 0 : index
    %swap3A_6 = arith.constant 0 : index
    %swap3A_7 = vector.load %arg3[%swap3A, %swap3A_6] : memref<8192x64xf32, #tpu.memory_space<vmem>>, vector<8192x64xf32>
    tpu.vector_store %arg3[%swap3A, %swap3A_6], %dot_general3A_5 {strides = array<i32>} : memref<8192x64xf32, #tpu.memory_space<vmem>>, vector<8192x64xf32>,
    return
  }
  func.func @transform_0(%arg0: i32) -> (i32, i32) {
    %c0_i32 = arith.constant 0 : i32
    %c0_i32_0 = arith.constant 0 : i32
    return %arg0, %c0_i32 : i32, i32
  }
  func.func @transform_1(%arg0: i32) -> (i32, i32) {
    %c0_i32 = arith.constant 0 : i32
    %c0_i32_0 = arith.constant 0 : i32
    %c0_i32_1 = arith.constant 0 : i32
    return %c0_i32, %c0_i32_0 : i32, i32
  }
  func.func @transform_2(%arg0: i32) -> (i32, i32) {
    %c0_i32 = arith.constant 0 : i32
    %c0_i32_0 = arith.constant 0 : i32
    return %arg0, %c0_i32 : i32, i32
  }
}

</mosaic_0001>

<sc_bundles>
// kernel: kernel.4.cloned.1.call-start
scs
__scs_entry_jumppad:
0x0: {  	(pc) =	sbr.rel $0x88, $3  }
0x1: {  	(tag) =	ssettag $0x0;
	lr =	simm.s32 $0x1  }
0x2: {  	[smem:$0x3F9F] =	sst lr;
	_ =	strace $0xD0000000  }
0x3: {  	_ = 	snop  }
0x4: {  	_ = 	snop  }
0x5: {  	_ = 	snop  }
0x6: {  	_ = 	snop  }
0x7: {  	_ = 	snop  }
__scs_overlays_trampoline_lowered:
0x8: {  	[smem:$0x3FAE] =	sst s0  }
0x9: {  	[smem:$0x3FAF] =	sst s1  }
0xa: {  	[smem:$0x3FB0] =	sst s2  }
0xb: {  	[smem:$0x3FB1] =	sst s3  }
0xc: {  	[smem:$0x3FB2] =	sst s4  }
0xd: {  	[smem:$0x3FB3] =	sst s5  }
0xe: {  	[smem:$0x3FB4] =	sst s6  }
0xf: {  	[smem:$0x3FB5] =	sst s7  }
0x10: {  	[smem:$0x3FB6] =	sst s8  }
0x11: {  	[smem:$0x3FB7] =	sst s9;
	s0 =	simm.s32 @!p0 $0x0  }
0x12: {  	s1 =	sld [smem:$0x3F9D];
	s0 =	simm.s32 @p0 $0x1  }
0x13: {  	[smem:$0x3FB8] =	sst s0;
	s0 =	simm.s32 @!p1 $0x0  }
0x14: {  	s2 =	sld [smem:$0x3F9C];
	s0 =	simm.s32 @p1 $0x1  }
0x15: {  	[smem:$0x3FB9] =	sst s0;
	s0 =	simm.s32 @!p2 $0x0  }
0x16: {  	s3 =	sld [smem:$0x3FDB];
	s0 =	simm.s32 @p2 $0x1  }
0x17: {  	s4 =	simm.s32 $0x1BF5;
	[smem:$0x3FBB] =	sst s0  }
0x18: {  	s0 =	sld [smem:$0x3F9E];
	_ =	swait.ge [sflag:s4], $0x0  }
0x19: {  	s7 =	sld [smem:$0x3F9F]  }
0x1a: {  	s8 =	sadd.s32 $0xFFFFE003, lr  }
0x1b: {  	s9 =	sadd.s32 $0xFFFFFEF7, lr;
	s5 =	simm.s32 $0xFFFFFFFF;
	p2 =	slt.u32 s8, $0xFFFFF086  }
0x1c: {  	p1 =	slt.u32 s9, $0xF7A;
	s5 =	simm.s32 @!p2 $0x0  }
0x1d: {  	s5 =	simm.s32 @p1 $0x1;
	p0 =	seq.s32 s7, s2  }
0x1e: {  	s7 =	smul.u32 @!p0 $0xF7A, s2;
	p2 =	seq.s32 @!p0 s5, $0x0  }
0x1f: {  	s9 =	smul.u32 $0xF7A, s1;
	s8 =	simm.s32 @!p0 $0x1BF5;
	p2 =	por !p2, p0  }
0x20: {  	[sflag:s8] =	ssyncset.s32 @!p0 $0xFFFFF086;
	s6 =	sadd.s32 @!p0 s3, s7;
	s7 =	simm.s32 @!p0 $0x108  }
0x21: {  	s3 =	sadd.s32 s3, s9;
	s6 =	sadd.s32 @!p0 $0x88, s6;
	s7 =	simm.s32 @p2 $0x1082  }
0x22: {  	[simem:s7], [sflag:s8] =	dma.local @!p0 [hbm:s6], $0xF7A  }
0x23: {  	s9 =	sor.u32 $0xD0000000, s2;
	s6 =	simm.s32 $0x108;
	_ =	swait.ge @!p0 [sflag:s8], $0x0  }
0x24: {  	s3 =	sadd.s32 $0x88, s3;
	s6 =	simm.s32 @!p1 $0x1082;
	[sflag:s4] =	ssyncset.s32 $0xFFFFF086  }
0x25: {  	[simem:s6], [sflag:s4] =	dma.local [hbm:s3], $0xF7A  }
0x26: {  	[smem:$0x3F9F] =	sst s1;
	(tag) =	ssettag s2;
	_ =	strace s9  }
0x27: {  	s1 =	sld [smem:$0x3FAF]  }
0x28: {  	s2 =	sld [smem:$0x3FB0]  }
0x29: {  	s4 =	sld [smem:$0x3FB2]  }
0x2a: {  	p0 =	seq.s32 s5, $0x0;
	s5 =	sld [smem:$0x3FB3]  }
0x2b: {  	s6 =	sld [smem:$0x3FB4]  }
0x2c: {  	s7 =	sld [smem:$0x3FB5]  }
0x2d: {  	s3 =	simm.s32 $0x108;
	s8 =	sld [smem:$0x3FB6]  }
0x2e: {  	s3 =	simm.s32 @!p0 $0x1082;
	s9 =	sld [smem:$0x3FB7]  }
0x2f: {  	lr =	sadd.s32 s0, s3;
	s0 =	sld [smem:$0x3FAE]  }
0x30: {  	s3 =	sld [smem:$0x3FB1]  }
0x31: {  	[smem:$0x3FBA] =	sst s10  }
0x32: {  	s10 =	sld [smem:$0x3FB8];
	_ =	sdelay $0x3  }
0x33: {  	p0 =	seq.s32 s10, $0x1;
	s10 =	sld [smem:$0x3FBA];
	_ =	sdelay $0x3  }
0x34: {  	[smem:$0x3FBA] =	sst s10  }
0x35: {  	s10 =	sld [smem:$0x3FB9];
	_ =	sdelay $0x3  }
0x36: {  	p1 =	seq.s32 s10, $0x1;
	s10 =	sld [smem:$0x3FBA];
	_ =	sdelay $0x3  }
0x37: {  	[smem:$0x3FBA] =	sst s10  }
0x38: {  	s10 =	sld [smem:$0x3FBB]  }
0x39: {  	_ = 	snop;
	(pc) =	sbr.ind lr, $3  }
0x3a: {  	_ = 	snop  }
0x3b: {  	_ = 	snop  }
0x3c: {  	p2 =	seq.s32 s10, $0x1;
	s10 =	sld [smem:$0x3FBA]  }
0x3d: {  	_ =	shalt  }
0x3e: {  	_ =	shalt  }
0x3f: {  	_ =	shalt  }
0x40: {  	_ =	shalt  }
0x41: {  	_ =	shalt  }
0x42: {  	_ =	shalt  }
0x43: {  	_ =	shalt  }
0x44: {  	_ =	shalt  }
0x45: {  	_ =	shalt  }
0x46: {  	_ =	shalt  }
0x47: {  	_ =	shalt  }
0x48: {  	_ =	shalt  }
0x49: {  	_ =	shalt  }
0x4a: {  	_ =	shalt  }
0x4b: {  	_ =	shalt  }
0x4c: {  	_ =	shalt  }
0x4d: {  	_ =	shalt  }
0x4e: {  	_ =	shalt  }
0x4f: {  	_ =	shalt  }
0x50: {  	_ =	shalt  }
0x51: {  	_ =	shalt  }
0x52: {  	_ =	shalt  }
0x53: {  	_ =	shalt  }
0x54: {  	_ =	shalt  }
0x55: {  	_ =	shalt  }
0x56: {  	_ =	shalt  }
0x57: {  	_ =	shalt  }
0x58: {  	_ =	shalt  }
0x59: {  	_ =	shalt  }
0x5a: {  	_ =	shalt  }
0x5b: {  	_ =	shalt  }
0x5c: {  	_ =	shalt  }
0x5d: {  	_ =	shalt  }
0x5e: {  	_ =	shalt  }
0x5f: {  	_ =	shalt  }
0x60: {  	_ =	shalt  }
0x61: {  	_ =	shalt  }
0x62: {  	_ =	shalt  }
0x63: {  	_ =	shalt  }
0x64: {  	_ =	shalt  }
0x65: {  	_ =	shalt  }
0x66: {  	_ =	shalt  }
0x67: {  	_ =	shalt  }
0x68: {  	_ =	shalt  }
0x69: {  	_ =	shalt  }
0x6a: {  	_ =	shalt  }
0x6b: {  	_ =	shalt  }
0x6c: {  	_ =	shalt  }
0x6d: {  	_ =	shalt  }
0x6e: {  	_ =	shalt  }
0x6f: {  	_ =	shalt  }
0x70: {  	_ =	shalt  }
0x71: {  	_ =	shalt  }
0x72: {  	_ =	shalt  }
0x73: {  	_ =	shalt  }
0x74: {  	_ =	shalt  }
0x75: {  	_ =	shalt  }
0x76: {  	_ =	shalt  }
0x77: {  	_ =	shalt  }
0x78: {  	_ =	shalt  }
0x79: {  	_ =	shalt  }
0x7a: {  	_ =	shalt  }
0x7b: {  	_ =	shalt  }
0x7c: {  	_ =	shalt  }
0x7d: {  	_ =	shalt  }
0x7e: {  	_ =	shalt  }
0x7f: {  	_ =	shalt  }
0x80: {  	_ =	shalt  }
0x81: {  	_ =	shalt  }
0x82: {  	_ =	shalt  }
0x83: {  	_ =	shalt  }
0x84: {  	_ =	shalt  }
0x85: {  	_ =	shalt  }
0x86: {  	_ =	shalt  }
0x87: {  	_ =	shalt  }
.Lfunc_end0:
.L_simem_size_0:
called_computation_lowered:
.L_overlay_start_0:
0x88: {  	s2 =	sld [smem:$0x3FD9]  }
0x89: {  	s3 =	sld [smem:$0x3FFE];
	_ =	sdelay $0x1  }
0x8a: {  	s1 =	srdreg.scid  }
0x8b: {  	s0 =	sand.u32 $0x1, s1  }
0x8c: {  	s17 =	sshll.u32 s0, $0xA;
	s2 =	sadd.s32 s3, s2  }
0x8d: {  	s2 =	sadd.s32 s2, s17  }
0x8e: {  	[smem:$0x3FC6] =	sst s2  }
0x8f: {  	_ = 	snop  }
0x90: {  	s2 =	sld [smem:$0x3FC9]  }
0x91: {  	s18 =	sld [smem:$0x3FC8]  }
0x92: {  	s4 =	sld [smem:$0x3FD0];
	(tm) =	ssettm $0x1  }
0x93: {  	s5 =	sld [smem:$0x3FFB];
	_ =	sdelay $0x3  }
0x94: {  	_ =	strace s5  }
0x95: {  	s5 =	sld [smem:$0x3FFC];
	_ =	sdelay $0x3  }
0x96: {  	_ =	strace s5  }
0x97: {  	s5 =	sld [smem:$0x3FFD];
	_ =	sdelay $0x3  }
0x98: {  	_ =	strace s5  }
0x99: {  	_ =	strace $0x8FFFFFFF  }
0x9a: {  	s19 =	sld [smem:$0x3FDB];
	_ =	sdelay $0x1  }
0x9b: {  	s6 =	simm.s32 $_scs_section_size  }
0x9c: {  	s7 =	simm.s32 $_size__tile_overlayer_lowered;
	s8 =	simm.s32 $_tile_overlayer_lowered  }
0x9d: {  	s22 =	simm.s32 $0x1BFF;
	s21 =	sshll.u32 s8, $0x1;
	s5 =	sadd.s32 s6, s19  }
0x9e: {  	s9 =	simm.s32 $0x0;
	s20 =	sshll.u32 s7, $0x1;
	s7 =	sadd.s32 s21, s5  }
0x9f: {  	[timem:s9], [sflag:s22] =	dma.local [hbm:s7], s20  }
0xa0: {  	_ =	swait.ge [sflag:s22], s20  }
0xa1: {  	s6 =	ssub.s32 $0x0, s20;
	[sflag:s22] =	ssyncset.done $0x0  }
0xa2: {  	[sflag:s22] =	ssyncadd.s32 s6;
	_ =	sdelay $0x1  }
0xa3: {  	s23 =	simm.s32 $0x1B8B  }
0xa4: {  	_ =	swait.ge [sflag:s23], $0x1  }
0xa5: {  	[sflag:s23] =	ssyncset.done $0x0  }
0xa6: {  	s25 =	simm.s32 $0x1B8E;
	s24 =	sld [smem:$0x3FFE];
	[sflag:s23] =	ssyncadd.s32 $0xFFFFFFFF  }
0xa7: {  	s26 =	simm.s32 $execute0_lowered;
	[smem:$0x3FD2] =	sst s25  }
0xa8: {  	s7 =	sshll.u32 s26, $0x1;
	_ =	strace $0x80000046;
	[dreg:$0x1] =	wrdreg $0xFFFFFFFF  }
0xa9: {  	s28 =	simm.s32 $_size_execute0_lowered;
	s5 =	sadd.s32 s5, s7;
	[dreg:$0x0] =	wrdreg $0x0  }
0xaa: {  	s7 =	sshll.u32 s28, $0x1;
	[dreg:$0x2] =	wrdreg s5  }
0xab: {  	[dreg:$0x3] =	wrdreg s7  }
0xac: {  	[dreg:$0x4] =	wrdreg $0xC0  }
0xad: {  	_ =	task [dreg:s9], $0x5FFFF  }
0xae: {  	[dreg:$0x1] =	wrdreg $0xFFFFFFFF  }
0xaf: {  	[dreg:$0x0] =	wrdreg $0x60  }
0xb0: {  	[dreg:$0x2] =	wrdreg s2  }
0xb1: {  	[dreg:$0x3] =	wrdreg s24  }
0xb2: {  	[dreg:$0x4] =	wrdreg s18  }
0xb3: {  	[dreg:$0x5] =	wrdreg s4  }
0xb4: {  	[dreg:$0x6] =	wrdreg $0x9  }
0xb5: {  	_ =	task.clear_ibuf [dreg:s9], $0x7FFFF;
	_ =	strace $0x90000046  }
0xb6: {  	s29 =	simm.s32 $0x9;
	_ =	strace $0x80000048  }
0xb7: {  	_ =	swait.ge [sflag:s29], $0x1  }
0xb8: {  	[sflag:s29] =	ssyncadd.s32 $0xFFFFFFFF  }
0xb9: {  	_ =	strace $0x90000048  }
0xba: {  	_ =	sfence  }
0xbb: {  	s30 =	sld [smem:$0x0];
	_ =	sdelay $0x2  }
0xbc: {  	s31 =	sshll.u32 s1, $0xD;
	s1 =	sshrl.u32 s1, $0x2  }
0xbd: {  	s3 =	sand.u32 $0x4000, s31;
	s1 =	sadd.s32 s1, s30  }
0xbe: {  	s0 =	sor.u32 s3, s0;
	s1 =	sshll.u32 s1, $0x11  }
0xbf: {  	s0 =	sor.u32 s1, s0  }
0xc0: {  	s0 =	sadd.s32 $0x8F2B, s0  }
0xc1: {  	[sflag:s0] =	ssyncadd.remote.s32 $0x1  }
0xc2: {  	_ =	sfence.sel $0xFFFF  }
0xc3: {  	[dreg:$0x0] =	wrdreg $0xFFFFFFFF;
	(pc) =	sbr.abs _section_cstart, $3  }
0xc4: {  	[dreg:$0x1] =	wrdreg $0xFFFFFFFF  }
0xc5: {  	_ =	task.clear_ibuf [dreg:s9], $0x2FFFF;
	_ =	strace $0x9FFFFFFF  }
0xc6: {  	(tm) =	ssettm $0x7FFFFFFF  }
0xc7: {  	_ =	shalt  }
tec
execute0_lowered:
.L_overlay_start_1:
0x0: {  	(tag) =	ssettag $0x1  }
0x1: {  	s0 =	rddreg [dreg:$0x0]  }
0x2: {  	s1 =	rddreg [dreg:$0x1];
	s2 =	srdreg.scid  }
0x3: {  	s12 =	stileid.u32;
	s4 =	rddreg [dreg:$0x2]  }
0x4: {  	s6 =	rddreg [dreg:$0x3];
	s5 =	sand.u32 $0x1, s2;
	s14 =	sshll.u32 s12, $0x1  }
0x5: {  	s2 =	simm.s32 $0x0;
	s3 =	sadd.s32 $0x600, s1;
	s12 =	smul.u32 $0x1E000, s12  }
0x6: {  	s7 =	sor.u32 s5, s14;
	s9 =	ssub.s32 $0x2, s5;
	s5 =	smul.u32 $0xF000, s5  }
0x7: {  	s28 =	sadd.s32 $0xA0000, s6;
	[smem:$0x7FF] =	sst s2;
	s8 =	smul.u32 $0x5000, s7  }
0x8: {  	s10 =	smul.u32 $0x28000, s7;
	_ =	strace $0x80000047;
	s15 =	sshrl.u32 s9, $0x1  }
0x9: {  	s24 =	smul.u32 $0x3C0, s7;
	s12 =	sadd.s32 s12, s6;
	p0 =	sne.s32 s7, $0x0  }
0xa: {  	s7 =	smul.u32 $0xF000, s7;
	s1 =	ssub.s32 s9, s15;
	s16 =	sor.u32 $0x800, s8  }
0xb: {  	s10 =	sshrl.u32 s10, $0x3;
	s11 =	sadd.s32 s0, s8;
	s8 =	sadd.s32 s6, s8  }
0xc: {  	s4 =	sadd.s32 s4, s24;
	s29 =	smax.u32 s1, $0x1;
	[dreg:$0x5] =	wrdreg s11  }
0xd: {  	s1 =	simm.s32 $0x9E00;
	s17 =	sadd.s32 s0, s16;
	[dreg:$0x7] =	wrdreg s8  }
0xe: {  	s18 =	sadd.s32 $0x1000, s10;
	s20 =	sadd.s32 $0x1800, s10;
	[dreg:$0x10] =	wrdreg s4  }
0xf: {  	s9 =	sadd.s32 s6, s16;
	s22 =	sadd.s32 $0x2000, s10;
	[dreg:$0x6] =	wrdreg s17  }
0x10: {  	s25 =	sadd.s32 $0x2800, s10;
	s19 =	sadd.s32 s0, s18;
	[dreg:$0x9] =	wrdreg s9  }
0x11: {  	s26 =	sadd.s32 $0x3000, s10;
	s21 =	sadd.s32 s0, s20;
	[dreg:$0x8] =	wrdreg s19  }
0x12: {  	s14 =	sadd.s32 $0x3800, s10;
	s11 =	sadd.s32 s6, s18;
	[dreg:$0xa] =	wrdreg s21  }
0x13: {  	s23 =	sadd.s32 s0, s22;
	s8 =	sadd.s32 s6, s20;
	[dreg:$0xb] =	wrdreg s11  }
0x14: {  	s13 =	sadd.s32 s0, s25;
	s9 =	sadd.s32 s6, s22;
	[dreg:$0xc] =	wrdreg s23  }
0x15: {  	s17 =	sadd.s32 s5, s12;
	s15 =	sadd.s32 s6, s25;
	[dreg:$0xd] =	wrdreg s8  }
0x16: {  	s16 =	sadd.s32 s6, s26;
	s18 =	sadd.s32 s0, s14;
	[dreg:$0xe] =	wrdreg s13  }
0x17: {  	s4 =	sadd.s32 s6, s14;
	s20 =	sadd.s32 $0x4800, s10;
	[dreg:$0xf] =	wrdreg s9  }
0x18: {  	s22 =	sadd.s32 s6, s7;
	s5 =	simm.s32 $0x7;
	[dreg:$0x12] =	wrdreg s15  }
0x19: {  	s7 =	simm.s32 $0x8;
	s12 =	simm.s32 $0x1;
	[dreg:$0x13] =	wrdreg s16  }
0x1a: {  	s14 =	simm.s32 $0x2;
	s13 =	sadd.s32 s0, s26;
	[dreg:$0x14] =	wrdreg s18  }
0x1b: {  	[dreg:$0x15] =	wrdreg s4;
	s19 =	sadd.s32 $0x4000, s10;
	s24 =	sadd.s32 s0, s20  }
0x1c: {  	s25 =	sadd.s32 s6, s20;
	s26 =	sadd.s32 $0xA0000, s0;
	s30 =	sadd.s32 $0xAE020, s22  }
0x1d: {  	s31 =	sadd.s32 $0xAE820, s22;
	s4 =	simm.s32 $0x5;
	s8 =	simm.s32 $0x9  }
0x1e: {  	s9 =	simm.s32 $0x100;
	s10 =	simm.s32 $0x1E00;
	s11 =	simm.s32 $0x5E00  }
0x1f: {  	s15 =	simm.s32 $0x4;
	s16 =	simm.s32 $0x0;
	[dreg:$0x11] =	wrdreg s13  }
0x20: {  	s21 =	sadd.s32 s0, s19;
	s23 =	sadd.s32 s6, s19;
	s0 =	simm.s32 $0xDE00  }
0x21: {  	s6 =	simm.s32 $0x6;
	s13 =	simm.s32 $0x3;
	[dreg:$0x16] =	wrdreg s21  }
.LBB2_1:
0x22: {  	s18 =	rddreg [dreg:$0x5]  }
0x23: {  	[tilespmem:s1], [sflag:$0x5] =	stream.linear.gather [hbm4b:s18+s2], $0x4000, $0x38;
	[tilespmem:$0x11E00] =	vst v63  }
0x24: {  	s19 =	rddreg [dreg:$0x6]  }
0x25: {  	[tilespmem:s0], [sflag:$0x6] =	stream.linear.gather [hbm4b:s19+s2], $0x4000, $0x38;
	[tilespmem:$0x11E00] =	vst v63  }
0x26: {  	_ =	swait.ge [sflag:s4], $0x4000  }
0x27: {  	[sflag:s4] =	ssyncset.done $0x0  }
0x28: {  	s20 =	rddreg [dreg:$0x7];
	[sflag:s4] =	ssyncadd.s32 $0xFFFFC000  }
0x29: {  	[hbm4b:s20+s2] =	stream.linear.scatter [tilespmem:s1], [sflag:$0x7], $0x4000, $0x38;
	[tilespmem:$0x11E00] =	vst v63  }
0x2a: {  	_ =	swait.ge [sflag:s5], $0x4000  }
0x2b: {  	[sflag:s5] =	ssyncset.done $0x0  }
0x2c: {  	s21 =	rddreg [dreg:$0x8];
	[sflag:s5] =	ssyncadd.s32 $0xFFFFC000  }
0x2d: {  	[tilespmem:s1], [sflag:$0x5] =	stream.linear.gather [hbm4b:s21+s2], $0x4000, $0x38;
	[tilespmem:$0x11E00] =	vst v63  }
0x2e: {  	_ =	swait.ge [sflag:s6], $0x4000  }
0x2f: {  	[sflag:s6] =	ssyncset.done $0x0  }
0x30: {  	s22 =	rddreg [dreg:$0x9];
	[sflag:s6] =	ssyncadd.s32 $0xFFFFC000  }
0x31: {  	[hbm4b:s22+s2] =	stream.linear.scatter [tilespmem:s0], [sflag:$0x8], $0x4000, $0x38;
	[tilespmem:$0x11E00] =	vst v63  }
0x32: {  	_ =	swait.ge [sflag:s7], $0x4000  }
0x33: {  	[sflag:s7] =	ssyncset.done $0x0  }
0x34: {  	s19 =	rddreg [dreg:$0xa];
	[sflag:s7] =	ssyncadd.s32 $0xFFFFC000  }
0x35: {  	[tilespmem:s0], [sflag:$0x6] =	stream.linear.gather [hbm4b:s19+s2], $0x4000, $0x38;
	[tilespmem:$0x11E00] =	vst v63  }
0x36: {  	_ =	swait.ge [sflag:s4], $0x4000  }
0x37: {  	[sflag:s4] =	ssyncset.done $0x0  }
0x38: {  	s20 =	rddreg [dreg:$0xb];
	[sflag:s4] =	ssyncadd.s32 $0xFFFFC000  }
0x39: {  	[hbm4b:s20+s2] =	stream.linear.scatter [tilespmem:s1], [sflag:$0x7], $0x4000, $0x38;
	[tilespmem:$0x11E00] =	vst v63  }
0x3a: {  	_ =	swait.ge [sflag:s5], $0x4000  }
0x3b: {  	[sflag:s5] =	ssyncset.done $0x0  }
0x3c: {  	s21 =	rddreg [dreg:$0xc];
	[sflag:s5] =	ssyncadd.s32 $0xFFFFC000  }
0x3d: {  	[tilespmem:s1], [sflag:$0x5] =	stream.linear.gather [hbm4b:s21+s2], $0x4000, $0x38;
	[tilespmem:$0x11E00] =	vst v63  }
0x3e: {  	_ =	swait.ge [sflag:s6], $0x4000  }
0x3f: {  	[sflag:s6] =	ssyncset.done $0x0  }
0x40: {  	s22 =	rddreg [dreg:$0xd];
	[sflag:s6] =	ssyncadd.s32 $0xFFFFC000  }
0x41: {  	[hbm4b:s22+s2] =	stream.linear.scatter [tilespmem:s0], [sflag:$0x8], $0x4000, $0x38;
	[tilespmem:$0x11E00] =	vst v63  }
0x42: {  	_ =	swait.ge [sflag:s7], $0x4000  }
0x43: {  	[sflag:s7] =	ssyncset.done $0x0  }
0x44: {  	s19 =	rddreg [dreg:$0xe];
	[sflag:s7] =	ssyncadd.s32 $0xFFFFC000  }
0x45: {  	[tilespmem:s0], [sflag:$0x6] =	stream.linear.gather [hbm4b:s19+s2], $0x4000, $0x38;
	[tilespmem:$0x11E00] =	vst v63  }
0x46: {  	_ =	swait.ge [sflag:s4], $0x4000  }
0x47: {  	[sflag:s4] =	ssyncset.done $0x0  }
0x48: {  	s20 =	rddreg [dreg:$0xf];
	[sflag:s4] =	ssyncadd.s32 $0xFFFFC000  }
0x49: {  	[hbm4b:s20+s2] =	stream.linear.scatter [tilespmem:s1], [sflag:$0x7], $0x4000, $0x38;
	[tilespmem:$0x11E00] =	vst v63  }
0x4a: {  	_ =	swait.ge [sflag:s5], $0x4000  }
0x4b: {  	[sflag:s5] =	ssyncset.done $0x0  }
0x4c: {  	s21 =	rddreg [dreg:$0x11];
	[sflag:s5] =	ssyncadd.s32 $0xFFFFC000  }
0x4d: {  	[tilespmem:s1], [sflag:$0x5] =	stream.linear.gather [hbm4b:s21+s2], $0x4000, $0x38;
	[tilespmem:$0x11E00] =	vst v63  }
0x4e: {  	_ =	swait.ge [sflag:s6], $0x4000  }
0x4f: {  	[sflag:s6] =	ssyncset.done $0x0  }
0x50: {  	s22 =	rddreg [dreg:$0x12];
	[sflag:s6] =	ssyncadd.s32 $0xFFFFC000  }
0x51: {  	[hbm4b:s22+s2] =	stream.linear.scatter [tilespmem:s0], [sflag:$0x8], $0x4000, $0x38;
	[tilespmem:$0x11E00] =	vst v63  }
0x52: {  	_ =	swait.ge [sflag:s7], $0x4000  }
0x53: {  	[sflag:s7] =	ssyncset.done $0x0  }
0x54: {  	s19 =	rddreg [dreg:$0x14];
	[sflag:s7] =	ssyncadd.s32 $0xFFFFC000  }
0x55: {  	[tilespmem:s0], [sflag:$0x6] =	stream.linear.gather [hbm4b:s19+s2], $0x4000, $0x38;
	[tilespmem:$0x11E00] =	vst v63  }
0x56: {  	_ =	swait.ge [sflag:s4], $0x4000  }
0x57: {  	[sflag:s4] =	ssyncset.done $0x0  }
0x58: {  	s20 =	rddreg [dreg:$0x13];
	[sflag:s4] =	ssyncadd.s32 $0xFFFFC000  }
0x59: {  	[hbm4b:s20+s2] =	stream.linear.scatter [tilespmem:s1], [sflag:$0x7], $0x4000, $0x38;
	[tilespmem:$0x11E00] =	vst v63  }
0x5a: {  	_ =	swait.ge [sflag:s5], $0x4000  }
0x5b: {  	[sflag:s5] =	ssyncset.done $0x0  }
0x5c: {  	s21 =	rddreg [dreg:$0x16];
	[sflag:s5] =	ssyncadd.s32 $0xFFFFC000  }
0x5d: {  	[tilespmem:s1], [sflag:$0x5] =	stream.linear.gather [hbm4b:s21+s2], $0x4000, $0x38;
	[tilespmem:$0x11E00] =	vst v63  }
0x5e: {  	_ =	swait.ge [sflag:s6], $0x4000  }
0x5f: {  	[sflag:s6] =	ssyncset.done $0x0  }
0x60: {  	s22 =	rddreg [dreg:$0x15];
	[sflag:s6] =	ssyncadd.s32 $0xFFFFC000  }
0x61: {  	[hbm4b:s22+s2] =	stream.linear.scatter [tilespmem:s0], [sflag:$0x8], $0x4000, $0x38;
	[tilespmem:$0x11E00] =	vst v63  }
0x62: {  	_ =	swait.ge [sflag:s7], $0x4000  }
0x63: {  	[sflag:s7] =	ssyncset.done $0x0  }
0x64: {  	[sflag:s7] =	ssyncadd.s32 $0xFFFFC000  }
0x65: {  	[tilespmem:s0], [sflag:$0x6] =	stream.linear.gather [hbm4b:s24+s2], $0x4000, $0x38;
	[tilespmem:$0x11E00] =	vst v63  }
0x66: {  	_ =	swait.ge [sflag:s4], $0x4000  }
0x67: {  	[sflag:s4] =	ssyncset.done $0x0  }
0x68: {  	[sflag:s4] =	ssyncadd.s32 $0xFFFFC000  }
0x69: {  	[hbm4b:s23+s2] =	stream.linear.scatter [tilespmem:s1], [sflag:$0x7], $0x4000, $0x38;
	[tilespmem:$0x11E00] =	vst v63  }
0x6a: {  	_ =	swait.ge [sflag:s6], $0x4000  }
0x6b: {  	[sflag:s6] =	ssyncset.done $0x0  }
0x6c: {  	[sflag:s6] =	ssyncadd.s32 $0xFFFFC000  }
0x6d: {  	[hbm4b:s25+s2] =	stream.linear.scatter [tilespmem:s0], [sflag:$0x8], $0x4000, $0x38;
	[tilespmem:$0x11E00] =	vst v63  }
0x6e: {  	_ =	swait.ge [sflag:s5], $0x4000  }
0x6f: {  	[sflag:s5] =	ssyncset.done $0x0  }
0x70: {  	[sflag:s5] =	ssyncadd.s32 $0xFFFFC000  }
0x71: {  	_ =	swait.ge [sflag:s7], $0x4000  }
0x72: {  	s18 =	simm.s32 @!p0 $0x0;
	[sflag:s7] =	ssyncset.done $0x0  }
0x73: {  	s19 =	simm.s32 @!p0 $0x9E00;
	s20 =	simm.s32 @!p0 $0x9;
	[sflag:s7] =	ssyncadd.s32 $0xFFFFC000  }
0x74: {  	[tilespmem:s19], [sflag:$0x9] =	stream.linear.gather @!p0 [hbm4b:s26+s18], $0x100, $0x38;
	[tilespmem:$0x11E00] =	vst v63  }
0x75: {  	_ =	swait.ge @!p0 [sflag:s20], $0x100  }
0x76: {  	[sflag:s20] =	ssyncset.done @!p0 $0x0  }
0x77: {  	[sflag:s20] =	ssyncadd.s32 @!p0 $0xFFFFFF00  }
0x78: {  	[hbm4b:s28+s18] =	stream.linear.scatter @!p0 [tilespmem:s19], [sflag:$0x9], $0x100, $0x38;
	[tilespmem:$0x11E00] =	vst v63  }
0x79: {  	_ =	swait.ge @!p0 [sflag:s20], $0x100  }
0x7a: {  	[sflag:s20] =	ssyncset.done @!p0 $0x0  }
0x7b: {  	s19 =	rddreg [dreg:$0x10];
	[sflag:s20] =	ssyncadd.s32 @!p0 $0xFFFFFF00  }
0x7c: {  	[tilespmem:s2], [sflag:$0x9] =	stream.linear.gather [hbm4b:s19+s2], $0x1E00, $0x38;
	[tilespmem:$0x11E00] =	vst v63  }
0x7d: {  	_ =	swait.ge [sflag:s8], $0x1E00  }
0x7e: {  	[sflag:s8] =	ssyncset.done $0x0  }
0x7f: {  	[sflag:s8] =	ssyncadd.s32 $0xFFFFE200  }
0x80: {  	[tilespmem:s10], [sflag:$0x1] =	stream.indirect.gather [hbm4b:s3+s9], $0x40, s2, s9, $0xb8;
	[tilespmem:$0x11E00] =	vst v63  }
0x81: {  	_ = 	snop  }
0x82: {  	[tilespmem:s11], [sflag:$0x2] =	stream.indirect.gather [hbm4b:s3+s9], $0x40, s9, s9, $0xb8;
	[tilespmem:$0x11E00] =	vst v63  }
0x83: {  	_ =	swait.ge [sflag:s12], $0x4000  }
0x84: {  	s20 =	sadd.s32 $0x0, s17;
	[sflag:s12] =	ssyncset.done $0x0  }
0x85: {  	s21 =	sadd.s32 $0xA0020, s20;
	[sflag:s12] =	ssyncadd.s32 $0xFFFFC000  }
0x86: {  	[hbm4b:s21+s2] =	stream.linear.scatter [tilespmem:s10], [sflag:$0x3], $0x4000, $0x38;
	[tilespmem:$0x11E00] =	vst v63  }
0x87: {  	_ =	swait.ge [sflag:s13], $0x4000  }
0x88: {  	[sflag:s13] =	ssyncset.done $0x0  }
0x89: {  	s22 =	simm.s32 $0x200;
	[sflag:s13] =	ssyncadd.s32 $0xFFFFC000  }
0x8a: {  	[tilespmem:s10], [sflag:$0x1] =	stream.indirect.gather [hbm4b:s3+s9], $0x40, s22, s9, $0xb8;
	[tilespmem:$0x11E00] =	vst v63  }
0x8b: {  	_ =	swait.ge [sflag:s14], $0x4000  }
0x8c: {  	[sflag:s14] =	ssyncset.done $0x0  }
0x8d: {  	s18 =	sadd.s32 $0xA0820, s20;
	[sflag:s14] =	ssyncadd.s32 $0xFFFFC000  }
0x8e: {  	[hbm4b:s18+s2] =	stream.linear.scatter [tilespmem:s11], [sflag:$0x4], $0x4000, $0x38;
	[tilespmem:$0x11E00] =	vst v63  }
0x8f: {  	_ =	swait.ge [sflag:s15], $0x4000  }
0x90: {  	s19 =	simm.s32 $0x1000;
	[sflag:s15] =	ssyncset.done $0x0  }
0x91: {  	s20 =	simm.s32 $0x500;
	s18 =	simm.s32 $0x300;
	[sflag:s15] =	ssyncadd.s32 $0xFFFFC000  }
.LBB2_2:
0x92: {  	[tilespmem:s11], [sflag:$0x2] =	stream.indirect.gather [hbm4b:s3+s9], $0x40, s18, s9, $0xb8;
	[tilespmem:$0x11E00] =	vst v63  }
0x93: {  	s21 =	smov.u32 s19;
	s18 =	smov.u32 s20  }
0x94: {  	p1 =	sne.s32 s19, $0xD000;
	s19 =	sadd.s32 $0x1000, s19;
	_ =	swait.ge [sflag:s12], $0x4000  }
0x95: {  	s21 =	sadd.s32 s21, s17;
	[sflag:s12] =	ssyncset.done $0x0  }
0x96: {  	s22 =	sadd.s32 $0xA0020, s21;
	[sflag:s12] =	ssyncadd.s32 $0xFFFFC000  }
0x97: {  	[hbm4b:s22+s2] =	stream.linear.scatter [tilespmem:s10], [sflag:$0x3], $0x4000, $0x38;
	[tilespmem:$0x11E00] =	vst v63  }
0x98: {  	_ =	swait.ge [sflag:s13], $0x4000  }
0x99: {  	[sflag:s13] =	ssyncset.done $0x0  }
0x9a: {  	s22 =	sadd.s32 $0xFFFFFF00, s20;
	[sflag:s13] =	ssyncadd.s32 $0xFFFFC000  }
0x9b: {  	[tilespmem:s10], [sflag:$0x1] =	stream.indirect.gather [hbm4b:s3+s9], $0x40, s22, s9, $0xb8;
	[tilespmem:$0x11E00] =	vst v63  }
0x9c: {  	_ =	swait.ge [sflag:s14], $0x4000  }
0x9d: {  	[sflag:s14] =	ssyncset.done $0x0  }
.Ltmp0:
0x9e: {  	s21 =	sadd.s32 $0xA0820, s21;
	[sflag:s14] =	ssyncadd.s32 $0xFFFFC000;
	(pc) =	sbr.rel @p1 .LBB2_2-.Ltmp0, $4  }
0x9f: {  	[hbm4b:s21+s2] =	stream.linear.scatter [tilespmem:s11], [sflag:$0x4], $0x4000, $0x38;
	[tilespmem:$0x11E00] =	vst v63  }
0xa0: {  	_ =	swait.ge [sflag:s15], $0x4000  }
0xa1: {  	[sflag:s15] =	ssyncset.done $0x0  }
0xa2: {  	s20 =	sadd.s32 $0x200, s20;
	[sflag:s15] =	ssyncadd.s32 $0xFFFFC000  }
0xa3: {  	[tilespmem:s11], [sflag:$0x2] =	stream.indirect.gather [hbm4b:s3+s9], $0x40, s18, s9, $0xb8;
	[tilespmem:$0x11E00] =	vst v63  }
0xa4: {  	_ =	swait.ge [sflag:s12], $0x4000  }
0xa5: {  	[sflag:s12] =	ssyncset.done $0x0  }
0xa6: {  	[sflag:s12] =	ssyncadd.s32 $0xFFFFC000  }
0xa7: {  	[hbm4b:s30+s2] =	stream.linear.scatter [tilespmem:s10], [sflag:$0x3], $0x4000, $0x38;
	[tilespmem:$0x11E00] =	vst v63  }
0xa8: {  	_ =	swait.ge [sflag:s14], $0x4000  }
0xa9: {  	[sflag:s14] =	ssyncset.done $0x0  }
0xaa: {  	s16 =	sadd.s32 $0x1, s16;
	[sflag:s14] =	ssyncadd.s32 $0xFFFFC000  }
0xab: {  	[hbm4b:s31+s2] =	stream.linear.scatter [tilespmem:s11], [sflag:$0x4], $0x4000, $0x38;
	[tilespmem:$0x11E00] =	vst v63  }
0xac: {  	p1 =	sne.s32 s16, s29;
	_ =	swait.ge [sflag:s13], $0x4000  }
.Ltmp1:
0xad: {  	[sflag:s13] =	ssyncset.done $0x0;
	(pc) =	sbr.rel @p1 .LBB2_1-.Ltmp1, $4  }
0xae: {  	[sflag:s13] =	ssyncadd.s32 $0xFFFFC000  }
0xaf: {  	_ =	swait.ge [sflag:s15], $0x4000  }
0xb0: {  	[sflag:s15] =	ssyncset.done $0x0  }
0xb1: {  	[sflag:s15] =	ssyncadd.s32 $0xFFFFC000  }
0xb2: {  	_ =	sfence.sel $0x180000  }
0xb3: {  	[bflag:$0x0] =	sbarrier.arrive $0xFFFF  }
0xb4: {  	_ =	strace $0x90000047  }
0xb5: {  	s0 =	stileid.u32;
	[bflag:$0x2] =	sbarrier.arrive $0xFFFF  }
0xb6: {  	p0 =	sne.s32 s0, $0x0;
	s0 =	rddreg [dreg:$0x4]  }
0xb7: {  	s0 =	sadd.s32 @!p0 $0x100000, s0  }
0xb8: {  	[sflag:s0] =	ssyncadd.tile.s32 @!p0 $0x1;
	_ =	shalt  }
.Lfunc_end2:
_tile_overlayer_lowered:
.L_overlay_start_2:
0xb9: {  	(tag) =	ssettag $0x2  }
0xba: {  	s0 =	rddreg [dreg:$0x0];
	s2 =	stileid.u32  }
0xbb: {  	s1 =	rddreg [dreg:$0x1];
	p0 =	sne.s32 s2, $0x0  }
0xbc: {  	s3 =	rddreg [dreg:$0x2];
	[bflag:$0x3] =	sbarrier.arrive $0xFFFF;
	s2 =	simm.s32 @!p0 $0x1C09  }
0xbd: {  	[timem:s3], [sflag:s2] =	dma.local @!p0 [hbm:s0], s1  }
0xbe: {  	s0 =	simm.s32 @!p0 $0x9  }
0xbf: {  	_ =	swait.ge @!p0 [sflag:s0], s1  }
0xc0: {  	s1 =	ssub.s32 @!p0 $0x0, s1;
	[sflag:s0] =	ssyncset.done @!p0 $0x0  }
0xc1: {  	[sflag:s0] =	ssyncadd.s32 @!p0 s1  }
0xc2: {  	[bflag:$0x3] =	sbarrier.arrive $0xFFFF  }
0xc3: {  	_ =	shalt  }

</sc_bundles>
